<compile_context>
chip_gen: v7x
topology: tpu7x:2x2x1
jax: 0.10.2.dev20260603
libtpu: 0.0.44.dev20260713+nightly
codegen_flags: <defaults>
</compile_context>

<pallas_src>
import jax
import jax.numpy as jnp
from jax import lax
from jax.experimental import pallas as pl
from jax.experimental.pallas import tpu as pltpu
from jax.experimental.pallas import tpu_sc as plsc

NY, NX, C = 496, 432, 64
NB = 4
NPTS = 48000
NYNX = NY * NX
CHUNK = 6912
NCH_B = NYNX // CHUNK
NPAD = 49152
PT = NPAD // 16
NG = PT // 16
WCELLS = CHUNK // 16
HCELLS = WCELLS // 3
RW = 80


def _body(feat, coorsT, out, coor_v, cells_v, idx_v,
          rows_v, wb_v, tr_v, zero_v, canvas_s, sem):
    sc = lax.axis_index("c")
    tid = lax.axis_index("s")
    iota = lax.iota(jnp.int32, 16)
    zf = jnp.zeros((16,), jnp.float32)
    base = tid * PT

    pltpu.sync_copy(coorsT.at[:, pl.ds(base, PT)], coor_v)
    sc_base = sc * (2 * NYNX)

    def cellg(i, _):
        off = i * 16
        b = coor_v[0, pl.ds(off, 16)]
        y = coor_v[2, pl.ds(off, 16)]
        x = coor_v[3, pl.ds(off, 16)]
        cells_v[pl.ds(off, 16)] = b * NYNX + y * NX + x - sc_base
        return 0

    lax.fori_loop(0, NG, cellg, 0)

    nrw = RW // 16

    def zrow(i, _):
        zero_v[i // nrw, pl.ds((i % nrw) * 16, 16)] = zf
        return 0

    lax.fori_loop(0, HCELLS * nrw, zrow, 0)

    def chunk(ci, _):
        lo = ci * CHUNK
        bb = sc * 2 + ci // NCH_B
        cb = (ci % NCH_B) * CHUNK

        for h in range(3):
            pltpu.sync_copy(
                zero_v,
                canvas_s.at[pl.ds(tid * WCELLS + h * HCELLS, HCELLS)])
        plsc.subcore_barrier()

        def scang(i, cur):
            cl = cells_v[pl.ds(i * 16, 16)]
            m = jnp.logical_and(cl >= lo, cl < lo + CHUNK)
            mi = m.astype(jnp.int32)
            pos = cur + plsc.cumsum(mi) - 1
            plsc.store_scatter(idx_v, [pos], i * 16 + iota, mask=m)
            return cur + plsc.all_reduce_population_count(m)[0]

        ncomp = lax.fori_loop(0, NG, scang, jnp.int32(0))
        nsub = (ncomp + 15) // 16

        def sub(j, _):
            off = j * 16
            valid = (off + iota) < ncomp
            ids = jnp.where(valid, idx_v[pl.ds(off, 16)], 0)
            cl = plsc.load_gather(cells_v, [ids])
            gid = base + ids
            pltpu.async_copy(feat.at[gid], rows_v, sem).wait()
            dst = jnp.where(valid, cl - lo, jnp.int32(CHUNK))
            pltpu.sync_copy(rows_v, canvas_s.at[dst], add=True)
            return 0

        lax.fori_loop(0, nsub, sub, 0)
        plsc.subcore_barrier()

        for h in range(3):
            wlo = tid * WCELLS + h * HCELLS
            pltpu.sync_copy(canvas_s.at[pl.ds(wlo, HCELLS)], wb_v)

            def cellk(k, _):
                kcol = jnp.full((16,), k, jnp.int32)
                for g in range(5):
                    v = wb_v[k, pl.ds(g * 16, 16)]
                    plsc.store_scatter(tr_v, [g * 16 + iota, kcol], v)
                return 0

            lax.fori_loop(0, HCELLS, cellk, 0)

            def scaler(r, _):
                cnt = tr_v[C, pl.ds(r * 16, 16)]
                rcp = 1.0 / jnp.maximum(cnt, 1.0)

                def sch(ch, _):
                    sl = tr_v[ch, pl.ds(r * 16, 16)]
                    tr_v[ch, pl.ds(r * 16, 16)] = sl * rcp
                    return 0

                lax.fori_loop(0, C, sch, 0)
                return 0

            lax.fori_loop(0, HCELLS // 16, scaler, 0)
            pltpu.sync_copy(
                tr_v.at[pl.ds(0, C)],
                out.at[pl.ds(bb * C, C), pl.ds(cb + wlo, HCELLS)])
        return 0

    lax.fori_loop(0, 2 * NCH_B, chunk, 0)


def _make_kernel():
    mesh = plsc.VectorSubcoreMesh(core_axis_name="c", subcore_axis_name="s")
    return pl.kernel(
        _body,
        out_type=jax.ShapeDtypeStruct((NB * C, NYNX), jnp.float32),
        mesh=mesh,
        compiler_params=pltpu.CompilerParams(
            use_tc_tiling_on_sc=False, needs_layout_passes=False),
        scratch_types=[
            pltpu.VMEM((4, PT), jnp.int32),
            pltpu.VMEM((PT, ), jnp.int32),
            pltpu.VMEM((PT + 16, ), jnp.int32),
            pltpu.VMEM((16, RW), jnp.float32),
            pltpu.VMEM((HCELLS, RW), jnp.float32),
            pltpu.VMEM((C + 16, HCELLS), jnp.float32),
            pltpu.VMEM((HCELLS, RW), jnp.float32),
            pltpu.VMEM_SHARED((CHUNK + 16, RW), jnp.float32),
            pltpu.SemaphoreType.DMA,
        ],
    )


@jax.jit
def _run(feat, coorsT):
    return _make_kernel()(feat, coorsT)


def kernel(voxel_features, coors, batch_size):
    n = voxel_features.shape[0]
    feat = jnp.concatenate(
        [voxel_features.astype(jnp.float32),
         jnp.ones((n, 1), jnp.float32),
         jnp.zeros((n, RW - C - 1), jnp.float32)], axis=1)
    feat = jnp.pad(feat, ((0, NPAD - n), (0, 0)))
    coorsT = jnp.transpose(coors.astype(jnp.int32))
    coorsT = jnp.pad(coorsT, ((0, 0), (0, NPAD - n)), constant_values=NB)
    out = _run(feat, coorsT)
    return out.reshape(NB, C, NY, NX)

# --- scband reference (transcript-rebuilt; emitter-appended) ---
"""Pipeline reference for scband-point-pillars-scatter-47064251629650 (READ-ONLY COPY).

The authoritative reference and input builder live on the scoring server;
editing this copy changes nothing except your own understanding.
"""

import jax, jax.numpy as jnp
import numpy as np

NY, NX, C, B, N = 496, 432, 64, 4, 48000


def setup_inputs(seed: int = 0) -> dict:
    key = jax.random.key(seed)
    k1, k2, k3, k4 = jax.random.split(key, 4)
    voxel_features = jax.random.normal(k1, (N, C), dtype=jnp.float32)
    # coors columns: (sample_id, z, y, x). Values kept in-range per column.
    b_col = jax.random.randint(k2, (N,), 0, B)
    z_col = jnp.zeros((N,), dtype=jnp.int32)
    y_col = jax.random.randint(k3, (N,), 0, NY)
    x_col = jax.random.randint(k4, (N,), 0, NX)
    coors = jnp.stack([b_col, z_col, y_col, x_col], axis=1).astype(jnp.int64)
    return {"voxel_features": voxel_features, "coors": coors, "batch_size": B}


def reference(voxel_features, coors, batch_size):
    valid = coors[:, 0] < batch_size
    indices = (coors[:, 2] * NX + coors[:, 3]).astype(jnp.int32)
    batch_canvas = []
    for batch_itt in range(B):
        mask = ((coors[:, 0] == batch_itt) & valid).astype(jnp.float32)[:, None]
        voxels = voxel_features * mask
        ones = jnp.ones_like(voxel_features) * mask
        # tf.scatter_nd accumulates duplicate indices -> .at[].add
        accum = jnp.maximum(
            jnp.zeros((NX * NY, C), dtype=jnp.float32).at[indices].add(ones), 1.0
        )
        canvas = jnp.zeros((NX * NY, C), dtype=jnp.float32).at[indices].add(voxels) / accum
        canvas = jnp.transpose(canvas)
        batch_canvas.append(canvas)
    out = jnp.stack(batch_canvas, axis=0)
    out = jnp.reshape(out, (B, C, NY, NX))
    return out

if __name__ == "__main__":
    import jax
    _d = setup_inputs()
    print(jax.jit(kernel)(*tuple(_d.values())))

</pallas_src>

<mosaic_0001>
#map = affine_map<(d0, d1) -> (0, 0)>
module attributes {stable_mosaic.version = 14 : i64} {
  func.func @_body(%arg0: i32, %arg1: i32, %arg2: memref<49152x80xf32, #tpu.memory_space<hbm>>, %arg3: memref<4x49152xi32, #tpu.memory_space<hbm>>, %arg4: memref<256x214272xf32, #tpu.memory_space<hbm>>, %arg5: memref<4x3072xi32, #tpu.memory_space<vmem>>, %arg6: memref<3072xi32, #tpu.memory_space<vmem>>, %arg7: memref<3088xi32, #tpu.memory_space<vmem>>, %arg8: memref<16x80xf32, #tpu.memory_space<vmem>>, %arg9: memref<144x80xf32, #tpu.memory_space<vmem>>, %arg10: memref<80x144xf32, #tpu.memory_space<vmem>>, %arg11: memref<144x80xf32, #tpu.memory_space<vmem>>, %arg12: memref<6928x80xf32, #tpu.memory_space<vmem_shared>>, %arg13: memref<!tpu.dma_semaphore, #tpu.memory_space<semaphore_mem>>) attributes {dimension_semantics = [#tpu.dimension_semantics<core_parallel>, #tpu.dimension_semantics<subcore_parallel>], iteration_bounds = array<i64: 2, 16>, scalar_prefetch = 0 : i64, scratch_operands = 9 : i64, tpu.core_type = #tpu.core_type<sc_vector_subcore>, window_params = [{transform_indices = #map}, {transform_indices = #map}, {transform_indices = #map}]} {
    %iota3A = tpu.iota {dimensions = array<i32: 0>} : vector<16xi32>
    %broadcast_in_dim3A = arith.constant 0.000000e+00 : f32
    %broadcast_in_dim3A_0 = vector.broadcast %broadcast_in_dim3A : f32 to vector<16xf32>
    %mul3A = arith.constant 3072 : i32
    %mul3A_1 = arith.muli %arg1, %mul3A : i32
    "tpu.region"() ({
      %run_scoped3A = tpu.sem_alloc : memref<!tpu.dma_semaphore, #tpu.memory_space<semaphore_mem>>
      %dma_start3A = arith.constant 0 : i32
      %dma_start3A_24 = tpu.memref_slice %arg3[%dma_start3A, %mul3A_1] : memref<4x49152xi32, #tpu.memory_space<hbm>> -> memref<4x3072xi32, #tpu.memory_space<hbm>>
      %dma_start3A_25 = arith.constant 0 : i32
      %dma_start3A_26 = tpu.memref_slice %arg3[%dma_start3A_25, %mul3A_1] : memref<4x49152xi32, #tpu.memory_space<hbm>> -> memref<4x3072xi32, #tpu.memory_space<hbm>>
      tpu.enqueue_dma source(%dma_start3A_26 : memref<4x3072xi32, #tpu.memory_space<hbm>>) target(%arg5 : memref<4x3072xi32, #tpu.memory_space<vmem>>) target_semaphore(%run_scoped3A : memref<!tpu.dma_semaphore, #tpu.memory_space<semaphore_mem>>)
      %dma_wait3A = arith.constant 0 : i32
      %dma_wait3A_27 = tpu.memref_slice %arg3[%dma_wait3A, %mul3A_1] : memref<4x49152xi32, #tpu.memory_space<hbm>> -> memref<4x3072xi32, #tpu.memory_space<hbm>>
      %dma_wait3A_28 = arith.constant 0 : i32
      %dma_wait3A_29 = tpu.memref_slice %arg3[%dma_wait3A_28, %mul3A_1] : memref<4x49152xi32, #tpu.memory_space<hbm>> -> memref<4x3072xi32, #tpu.memory_space<hbm>>
      tpu.wait_dma2 semaphore(%run_scoped3A : memref<!tpu.dma_semaphore, #tpu.memory_space<semaphore_mem>>) src(%dma_wait3A_29 : memref<4x3072xi32, #tpu.memory_space<hbm>>) dst(%arg5 : memref<4x3072xi32, #tpu.memory_space<vmem>>)
      tpu.yield
    }) : () -> ()
    %mul3A_2 = arith.constant 428544 : i32
    %mul3A_3 = arith.muli %arg0, %mul3A_2 : i32
    %scan3A = arith.constant 0 : i32
    %scan3A_4 = arith.constant 0 : i32
    %scan3A_5 = arith.constant 192 : i32
    %scan3A_6 = arith.addi %scan3A_4, %scan3A_5 : i32
    %scan3A_7 = arith.constant 1 : i32
    %scan3A_8 = scf.for %scan3A_24 = %scan3A_4 to %scan3A_6 step %scan3A_7 iter_args(%scan3A_25 = %scan3A) -> (i32)  : i32 {
      %mul3A_26 = arith.constant 16 : i32
      %mul3A_27 = arith.muli %scan3A_24, %mul3A_26 : i32
      %get3A = arith.constant 0 : i32
      %get3A_28 = arith.index_cast %get3A : i32 to index
      %get3A_29 = arith.index_cast %mul3A_27 : i32 to index
      %get3A_30 = tpu.vector_load %arg5[%get3A_28, %get3A_29] {strides = array<i32>} : memref<4x3072xi32, #tpu.memory_space<vmem>>, vector<16xi32>,
      %get3A_31 = arith.constant 2 : i32
      %get3A_32 = arith.index_cast %get3A_31 : i32 to index
      %get3A_33 = arith.index_cast %mul3A_27 : i32 to index
      %get3A_34 = tpu.vector_load %arg5[%get3A_32, %get3A_33] {strides = array<i32>} : memref<4x3072xi32, #tpu.memory_space<vmem>>, vector<16xi32>,
      %get3A_35 = arith.constant 3 : i32
      %get3A_36 = arith.index_cast %get3A_35 : i32 to index
      %get3A_37 = arith.index_cast %mul3A_27 : i32 to index
      %get3A_38 = tpu.vector_load %arg5[%get3A_36, %get3A_37] {strides = array<i32>} : memref<4x3072xi32, #tpu.memory_space<vmem>>, vector<16xi32>,
      %mul3A_39 = arith.constant 214272 : i32
      %mul3A_40 = vector.broadcast %mul3A_39 : i32 to vector<16xi32>
      %mul3A_41 = arith.muli %get3A_30, %mul3A_40 : vector<16xi32>
      %mul3A_42 = arith.constant 432 : i32
      %mul3A_43 = vector.broadcast %mul3A_42 : i32 to vector<16xi32>
      %mul3A_44 = arith.muli %get3A_34, %mul3A_43 : vector<16xi32>
      %add3A = arith.addi %mul3A_41, %mul3A_44 : vector<16xi32>
      %add3A_45 = arith.addi %add3A, %get3A_38 : vector<16xi32>
      %sub3A = vector.broadcast %mul3A_3 : i32 to vector<16xi32>
      %sub3A_46 = arith.subi %add3A_45, %sub3A : vector<16xi32>
      %swap3A = arith.index_cast %mul3A_27 : i32 to index
      %swap3A_47 = tpu.vector_load %arg6[%swap3A] {strides = array<i32>} : memref<3072xi32, #tpu.memory_space<vmem>>, vector<16xi32>,
      tpu.vector_store %arg6[%swap3A], %sub3A_46 {strides = array<i32>} : memref<3072xi32, #tpu.memory_space<vmem>>, vector<16xi32>,
      %scan3A_48 = arith.constant 0 : i32
      scf.yield %scan3A_48 : i32
    }
    %scan3A_9 = arith.constant 192 : i32
    %scan3A_10 = arith.constant 0 : i32
    %scan3A_11 = arith.constant 0 : i32
    %scan3A_12 = arith.constant 720 : i32
    %scan3A_13 = arith.addi %scan3A_11, %scan3A_12 : i32
    %scan3A_14 = arith.constant 1 : i32
    %scan3A_15 = scf.for %scan3A_24 = %scan3A_11 to %scan3A_13 step %scan3A_14 iter_args(%scan3A_25 = %scan3A_10) -> (i32)  : i32 {
      %jit3A = arith.constant 5 : i32
      %div3A = arith.divsi %scan3A_24, %jit3A : i32
      %sign3A = arith.constant 0 : i32
      %sign3A_26 = arith.cmpi sgt, %scan3A_24, %sign3A : i32
      %sign3A_27 = arith.extui %sign3A_26 : i1 to i32
      %sign3A_28 = arith.constant 0 : i32
      %sign3A_29 = arith.cmpi slt, %scan3A_24, %sign3A_28 : i32
      %sign3A_30 = arith.extui %sign3A_29 : i1 to i32
      %sign3A_31 = arith.subi %sign3A_27, %sign3A_30 : i32
      %sign3A_32 = arith.constant 0 : i32
      %sign3A_33 = arith.cmpi sgt, %jit3A, %sign3A_32 : i32
      %sign3A_34 = arith.extui %sign3A_33 : i1 to i32
      %sign3A_35 = arith.constant 0 : i32
      %sign3A_36 = arith.cmpi slt, %jit3A, %sign3A_35 : i32
      %sign3A_37 = arith.extui %sign3A_36 : i1 to i32
      %sign3A_38 = arith.subi %sign3A_34, %sign3A_37 : i32
      %ne3A = arith.cmpi ne, %sign3A_31, %sign3A_38 : i32
      %rem3A = arith.remsi %scan3A_24, %jit3A : i32
      %ne3A_39 = arith.constant 0 : i32
      %ne3A_40 = arith.cmpi ne, %rem3A, %ne3A_39 : i32
      %and3A = arith.andi %ne3A, %ne3A_40 : i1
      %sub3A = arith.constant 1 : i32
      %sub3A_41 = arith.subi %div3A, %sub3A : i32
      %select_n3A = arith.select %and3A, %sub3A_41, %div3A : i32
      %jit3A_42 = arith.constant 5 : i32
      %eq3A = arith.constant 0 : i32
      %eq3A_43 = arith.cmpi eq, %jit3A_42, %eq3A : i32
      %jit3A_44 = arith.constant 1 : i32
      %select_n3A_45 = arith.select %eq3A_43, %jit3A_44, %jit3A_42 : i32
      %rem3A_46 = arith.remsi %scan3A_24, %select_n3A_45 : i32
      %ne3A_47 = arith.constant 0 : i32
      %ne3A_48 = arith.cmpi ne, %rem3A_46, %ne3A_47 : i32
      %lt3A = arith.constant 0 : i32
      %lt3A_49 = arith.cmpi slt, %rem3A_46, %lt3A : i32
      %lt3A_50 = arith.constant 0 : i32
      %lt3A_51 = arith.cmpi slt, %select_n3A_45, %lt3A_50 : i32
      %ne3A_52 = arith.xori %lt3A_49, %lt3A_51 : i1
      %and3A_53 = arith.andi %ne3A_52, %ne3A_48 : i1
      %add3A = arith.addi %rem3A_46, %select_n3A_45 : i32
      %select_n3A_54 = arith.select %and3A_53, %add3A, %rem3A_46 : i32
      %mul3A_55 = arith.constant 16 : i32
      %mul3A_56 = arith.muli %select_n3A_54, %mul3A_55 : i32
      %swap3A = arith.index_cast %select_n3A : i32 to index
      %swap3A_57 = arith.index_cast %mul3A_56 : i32 to index
      %swap3A_58 = tpu.vector_load %arg11[%swap3A, %swap3A_57] {strides = array<i32>} : memref<144x80xf32, #tpu.memory_space<vmem>>, vector<16xf32>,
      tpu.vector_store %arg11[%swap3A, %swap3A_57], %broadcast_in_dim3A_0 {strides = array<i32>} : memref<144x80xf32, #tpu.memory_space<vmem>>, vector<16xf32>,
      %scan3A_59 = arith.constant 0 : i32
      scf.yield %scan3A_59 : i32
    }
    %scan3A_16 = arith.constant 720 : i32
    %scan3A_17 = arith.constant 0 : i32
    %scan3A_18 = arith.constant 0 : i32
    %scan3A_19 = arith.constant 62 : i32
    %scan3A_20 = arith.addi %scan3A_18, %scan3A_19 : i32
    %scan3A_21 = arith.constant 1 : i32
    %scan3A_22 = scf.for %scan3A_24 = %scan3A_18 to %scan3A_20 step %scan3A_21 iter_args(%scan3A_25 = %scan3A_17) -> (i32)  : i32 {
      %mul3A_26 = arith.constant 6912 : i32
      %mul3A_27 = arith.muli %scan3A_24, %mul3A_26 : i32
      %mul3A_28 = arith.constant 2 : i32
      %mul3A_29 = arith.muli %arg0, %mul3A_28 : i32
      %jit3A = arith.constant 31 : i32
      %div3A = arith.divsi %scan3A_24, %jit3A : i32
      %sign3A = arith.constant 0 : i32
      %sign3A_30 = arith.cmpi sgt, %scan3A_24, %sign3A : i32
      %sign3A_31 = arith.extui %sign3A_30 : i1 to i32
      %sign3A_32 = arith.constant 0 : i32
      %sign3A_33 = arith.cmpi slt, %scan3A_24, %sign3A_32 : i32
      %sign3A_34 = arith.extui %sign3A_33 : i1 to i32
      %sign3A_35 = arith.subi %sign3A_31, %sign3A_34 : i32
      %sign3A_36 = arith.constant 0 : i32
      %sign3A_37 = arith.cmpi sgt, %jit3A, %sign3A_36 : i32
      %sign3A_38 = arith.extui %sign3A_37 : i1 to i32
      %sign3A_39 = arith.constant 0 : i32
      %sign3A_40 = arith.cmpi slt, %jit3A, %sign3A_39 : i32
      %sign3A_41 = arith.extui %sign3A_40 : i1 to i32
      %sign3A_42 = arith.subi %sign3A_38, %sign3A_41 : i32
      %ne3A = arith.cmpi ne, %sign3A_35, %sign3A_42 : i32
      %rem3A = arith.remsi %scan3A_24, %jit3A : i32
      %ne3A_43 = arith.constant 0 : i32
      %ne3A_44 = arith.cmpi ne, %rem3A, %ne3A_43 : i32
      %and3A = arith.andi %ne3A, %ne3A_44 : i1
      %sub3A = arith.constant 1 : i32
      %sub3A_45 = arith.subi %div3A, %sub3A : i32
      %select_n3A = arith.select %and3A, %sub3A_45, %div3A : i32
      %add3A = arith.addi %mul3A_29, %select_n3A : i32
      %jit3A_46 = arith.constant 31 : i32
      %eq3A = arith.constant 0 : i32
      %eq3A_47 = arith.cmpi eq, %jit3A_46, %eq3A : i32
      %jit3A_48 = arith.constant 1 : i32
      %select_n3A_49 = arith.select %eq3A_47, %jit3A_48, %jit3A_46 : i32
      %rem3A_50 = arith.remsi %scan3A_24, %select_n3A_49 : i32
      %ne3A_51 = arith.constant 0 : i32
      %ne3A_52 = arith.cmpi ne, %rem3A_50, %ne3A_51 : i32
      %lt3A = arith.constant 0 : i32
      %lt3A_53 = arith.cmpi slt, %rem3A_50, %lt3A : i32
      %lt3A_54 = arith.constant 0 : i32
      %lt3A_55 = arith.cmpi slt, %select_n3A_49, %lt3A_54 : i32
      %ne3A_56 = arith.xori %lt3A_53, %lt3A_55 : i1
      %and3A_57 = arith.andi %ne3A_56, %ne3A_52 : i1
      %add3A_58 = arith.addi %rem3A_50, %select_n3A_49 : i32
      %select_n3A_59 = arith.select %and3A_57, %add3A_58, %rem3A_50 : i32
      %mul3A_60 = arith.constant 6912 : i32
      %mul3A_61 = arith.muli %select_n3A_59, %mul3A_60 : i32
      %mul3A_62 = arith.constant 432 : i32
      %mul3A_63 = arith.muli %arg1, %mul3A_62 : i32
      %add3A_64 = arith.constant 0 : i32
      %add3A_65 = arith.addi %mul3A_63, %add3A_64 : i32
      "tpu.region"() ({
        %run_scoped3A = tpu.sem_alloc : memref<!tpu.dma_semaphore, #tpu.memory_space<semaphore_mem>>
        %dma_start3A = arith.constant 0 : i32
        %dma_start3A_183 = tpu.memref_slice %arg12[%add3A_65, %dma_start3A] : memref<6928x80xf32, #tpu.memory_space<vmem_shared>> -> memref<144x80xf32, #tpu.memory_space<vmem_shared>>
        %dma_start3A_184 = arith.constant 0 : i32
        %dma_start3A_185 = tpu.memref_slice %arg12[%add3A_65, %dma_start3A_184] : memref<6928x80xf32, #tpu.memory_space<vmem_shared>> -> memref<144x80xf32, #tpu.memory_space<vmem_shared>>
        tpu.enqueue_dma source(%arg11 : memref<144x80xf32, #tpu.memory_space<vmem>>) target(%dma_start3A_185 : memref<144x80xf32, #tpu.memory_space<vmem_shared>>) target_semaphore(%run_scoped3A : memref<!tpu.dma_semaphore, #tpu.memory_space<semaphore_mem>>)
        %dma_wait3A = arith.constant 0 : i32
        %dma_wait3A_186 = tpu.memref_slice %arg12[%add3A_65, %dma_wait3A] : memref<6928x80xf32, #tpu.memory_space<vmem_shared>> -> memref<144x80xf32, #tpu.memory_space<vmem_shared>>
        %dma_wait3A_187 = arith.constant 0 : i32
        %dma_wait3A_188 = tpu.memref_slice %arg12[%add3A_65, %dma_wait3A_187] : memref<6928x80xf32, #tpu.memory_space<vmem_shared>> -> memref<144x80xf32, #tpu.memory_space<vmem_shared>>
        tpu.wait_dma2 semaphore(%run_scoped3A : memref<!tpu.dma_semaphore, #tpu.memory_space<semaphore_mem>>) src(%arg11 : memref<144x80xf32, #tpu.memory_space<vmem>>) dst(%dma_wait3A_188 : memref<144x80xf32, #tpu.memory_space<vmem_shared>>)
        tpu.yield
      }) : () -> ()
      %mul3A_66 = arith.constant 432 : i32
      %mul3A_67 = arith.muli %arg1, %mul3A_66 : i32
      %add3A_68 = arith.constant 144 : i32
      %add3A_69 = arith.addi %mul3A_67, %add3A_68 : i32
      "tpu.region"() ({
        %run_scoped3A = tpu.sem_alloc : memref<!tpu.dma_semaphore, #tpu.memory_space<semaphore_mem>>
        %dma_start3A = arith.constant 0 : i32
        %dma_start3A_183 = tpu.memref_slice %arg12[%add3A_69, %dma_start3A] : memref<6928x80xf32, #tpu.memory_space<vmem_shared>> -> memref<144x80xf32, #tpu.memory_space<vmem_shared>>
        %dma_start3A_184 = arith.constant 0 : i32
        %dma_start3A_185 = tpu.memref_slice %arg12[%add3A_69, %dma_start3A_184] : memref<6928x80xf32, #tpu.memory_space<vmem_shared>> -> memref<144x80xf32, #tpu.memory_space<vmem_shared>>
        tpu.enqueue_dma source(%arg11 : memref<144x80xf32, #tpu.memory_space<vmem>>) target(%dma_start3A_185 : memref<144x80xf32, #tpu.memory_space<vmem_shared>>) target_semaphore(%run_scoped3A : memref<!tpu.dma_semaphore, #tpu.memory_space<semaphore_mem>>)
        %dma_wait3A = arith.constant 0 : i32
        %dma_wait3A_186 = tpu.memref_slice %arg12[%add3A_69, %dma_wait3A] : memref<6928x80xf32, #tpu.memory_space<vmem_shared>> -> memref<144x80xf32, #tpu.memory_space<vmem_shared>>
        %dma_wait3A_187 = arith.constant 0 : i32
        %dma_wait3A_188 = tpu.memref_slice %arg12[%add3A_69, %dma_wait3A_187] : memref<6928x80xf32, #tpu.memory_space<vmem_shared>> -> memref<144x80xf32, #tpu.memory_space<vmem_shared>>
        tpu.wait_dma2 semaphore(%run_scoped3A : memref<!tpu.dma_semaphore, #tpu.memory_space<semaphore_mem>>) src(%arg11 : memref<144x80xf32, #tpu.memory_space<vmem>>) dst(%dma_wait3A_188 : memref<144x80xf32, #tpu.memory_space<vmem_shared>>)
        tpu.yield
      }) : () -> ()
      %mul3A_70 = arith.constant 432 : i32
      %mul3A_71 = arith.muli %arg1, %mul3A_70 : i32
      %add3A_72 = arith.constant 288 : i32
      %add3A_73 = arith.addi %mul3A_71, %add3A_72 : i32
      "tpu.region"() ({
        %run_scoped3A = tpu.sem_alloc : memref<!tpu.dma_semaphore, #tpu.memory_space<semaphore_mem>>
        %dma_start3A = arith.constant 0 : i32
        %dma_start3A_183 = tpu.memref_slice %arg12[%add3A_73, %dma_start3A] : memref<6928x80xf32, #tpu.memory_space<vmem_shared>> -> memref<144x80xf32, #tpu.memory_space<vmem_shared>>
        %dma_start3A_184 = arith.constant 0 : i32
        %dma_start3A_185 = tpu.memref_slice %arg12[%add3A_73, %dma_start3A_184] : memref<6928x80xf32, #tpu.memory_space<vmem_shared>> -> memref<144x80xf32, #tpu.memory_space<vmem_shared>>
        tpu.enqueue_dma source(%arg11 : memref<144x80xf32, #tpu.memory_space<vmem>>) target(%dma_start3A_185 : memref<144x80xf32, #tpu.memory_space<vmem_shared>>) target_semaphore(%run_scoped3A : memref<!tpu.dma_semaphore, #tpu.memory_space<semaphore_mem>>)
        %dma_wait3A = arith.constant 0 : i32
        %dma_wait3A_186 = tpu.memref_slice %arg12[%add3A_73, %dma_wait3A] : memref<6928x80xf32, #tpu.memory_space<vmem_shared>> -> memref<144x80xf32, #tpu.memory_space<vmem_shared>>
        %dma_wait3A_187 = arith.constant 0 : i32
        %dma_wait3A_188 = tpu.memref_slice %arg12[%add3A_73, %dma_wait3A_187] : memref<6928x80xf32, #tpu.memory_space<vmem_shared>> -> memref<144x80xf32, #tpu.memory_space<vmem_shared>>
        tpu.wait_dma2 semaphore(%run_scoped3A : memref<!tpu.dma_semaphore, #tpu.memory_space<semaphore_mem>>) src(%arg11 : memref<144x80xf32, #tpu.memory_space<vmem>>) dst(%dma_wait3A_188 : memref<144x80xf32, #tpu.memory_space<vmem_shared>>)
        tpu.yield
      }) : () -> ()
      %barrier3A = arith.constant 0 : index
      tpu.barrier barrier_id(%barrier3A)
      %scan3A_74 = arith.constant 0 : i32
      %scan3A_75 = arith.constant 0 : i32
      %scan3A_76 = arith.constant 192 : i32
      %scan3A_77 = arith.addi %scan3A_75, %scan3A_76 : i32
      %scan3A_78 = arith.constant 1 : i32
      %scan3A_79 = scf.for %scan3A_183 = %scan3A_75 to %scan3A_77 step %scan3A_78 iter_args(%scan3A_184 = %scan3A_74) -> (i32)  : i32 {
        %mul3A_185 = arith.constant 16 : i32
        %mul3A_186 = arith.muli %scan3A_183, %mul3A_185 : i32
        %get3A = arith.index_cast %mul3A_186 : i32 to index
        %get3A_187 = tpu.vector_load %arg6[%get3A] {strides = array<i32>} : memref<3072xi32, #tpu.memory_space<vmem>>, vector<16xi32>,
        %ge3A = vector.broadcast %mul3A_27 : i32 to vector<16xi32>
        %ge3A_188 = arith.cmpi sge, %get3A_187, %ge3A : vector<16xi32>
        %add3A_189 = arith.constant 6912 : i32
        %add3A_190 = arith.addi %mul3A_27, %add3A_189 : i32
        %lt3A_191 = vector.broadcast %add3A_190 : i32 to vector<16xi32>
        %lt3A_192 = arith.cmpi slt, %get3A_187, %lt3A_191 : vector<16xi32>
        %and3A_193 = arith.andi %ge3A_188, %lt3A_192 : vector<16xi1>
        %convert_element_type3A = arith.extui %and3A_193 : vector<16xi1> to vector<16xi32>
        %broadcast_in_dim3A_194 = arith.constant true
        %broadcast_in_dim3A_195 = vector.broadcast %broadcast_in_dim3A_194 : i1 to vector<16xi1>
        %masked_cumsum3A = tpu.scan <sum>, %convert_element_type3A masked %broadcast_in_dim3A_195 : vector<16xi32>, vector<16xi1> -> vector<16xi32>
        %add3A_196 = vector.broadcast %scan3A_184 : i32 to vector<16xi32>
        %add3A_197 = arith.addi %add3A_196, %masked_cumsum3A : vector<16xi32>
        %sub3A_198 = arith.constant 1 : i32
        %sub3A_199 = vector.broadcast %sub3A_198 : i32 to vector<16xi32>
        %sub3A_200 = arith.subi %add3A_197, %sub3A_199 : vector<16xi32>
        %mul3A_201 = arith.constant 16 : i32
        %mul3A_202 = arith.muli %scan3A_183, %mul3A_201 : i32
        %add3A_203 = vector.broadcast %mul3A_202 : i32 to vector<16xi32>
        %add3A_204 = arith.addi %add3A_203, %iota3A : vector<16xi32>
        tpu.vector_store_idx %arg7[%sub3A_200], %add3A_204 masked %and3A_193 : memref<3088xi32, #tpu.memory_space<vmem>>[vector<16xi32>], vector<16xi32>, vector<16xi1>
        %all_reduce_population_count3A = tpu.all_reduce %and3A_193 {dim = 0 : i64, kind = #tpu.reduction_kind<sum>} : vector<16xi1> -> vector<16xi32>
        %slice3A = vector.extract_strided_slice %all_reduce_population_count3A {offsets = [0], sizes = [1], strides = [1]} : vector<16xi32> to vector<1xi32>
        %squeeze3A = vector.extract %slice3A[0] : i32 from vector<1xi32>
        %add3A_205 = arith.addi %scan3A_184, %squeeze3A : i32
        scf.yield %add3A_205 : i32
      }
      %scan3A_80 = arith.constant 192 : i32
      %add3A_81 = arith.constant 15 : i32
      %add3A_82 = arith.addi %scan3A_79, %add3A_81 : i32
      %jit3A_83 = arith.constant 16 : i32
      %div3A_84 = arith.divsi %add3A_82, %jit3A_83 : i32
      %sign3A_85 = arith.constant 0 : i32
      %sign3A_86 = arith.cmpi sgt, %add3A_82, %sign3A_85 : i32
      %sign3A_87 = arith.extui %sign3A_86 : i1 to i32
      %sign3A_88 = arith.constant 0 : i32
      %sign3A_89 = arith.cmpi slt, %add3A_82, %sign3A_88 : i32
      %sign3A_90 = arith.extui %sign3A_89 : i1 to i32
      %sign3A_91 = arith.subi %sign3A_87, %sign3A_90 : i32
      %sign3A_92 = arith.constant 0 : i32
      %sign3A_93 = arith.cmpi sgt, %jit3A_83, %sign3A_92 : i32
      %sign3A_94 = arith.extui %sign3A_93 : i1 to i32
      %sign3A_95 = arith.constant 0 : i32
      %sign3A_96 = arith.cmpi slt, %jit3A_83, %sign3A_95 : i32
      %sign3A_97 = arith.extui %sign3A_96 : i1 to i32
      %sign3A_98 = arith.subi %sign3A_94, %sign3A_97 : i32
      %ne3A_99 = arith.cmpi ne, %sign3A_91, %sign3A_98 : i32
      %rem3A_100 = arith.remsi %add3A_82, %jit3A_83 : i32
      %ne3A_101 = arith.constant 0 : i32
      %ne3A_102 = arith.cmpi ne, %rem3A_100, %ne3A_101 : i32
      %and3A_103 = arith.andi %ne3A_99, %ne3A_102 : i1
      %sub3A_104 = arith.constant 1 : i32
      %sub3A_105 = arith.subi %div3A_84, %sub3A_104 : i32
      %select_n3A_106 = arith.select %and3A_103, %sub3A_105, %div3A_84 : i32
      %while3A = arith.constant 0 : i32
      %while3A_107 = arith.constant 0 : i32
      %while3A_108 = arith.subi %select_n3A_106, %while3A : i32
      %while3A_109 = arith.addi %while3A, %while3A_108 : i32
      %while3A_110 = arith.constant 1 : i32
      %while3A_111 = arith.divsi %while3A_108, %while3A_110 : i32
      %while3A_112 = arith.muli %while3A_111, %while3A_110 : i32
      %while3A_113 = arith.addi %while3A, %while3A_112 : i32
      %while3A_114 = arith.constant 1 : i32
      %while3A_115 = scf.for %while3A_183 = %while3A to %while3A_113 step %while3A_114 iter_args(%while3A_184 = %while3A_107) -> (i32)  : i32 {
        %mul3A_185 = arith.constant 16 : i32
        %mul3A_186 = arith.muli %while3A_183, %mul3A_185 : i32
        %add3A_187 = vector.broadcast %mul3A_186 : i32 to vector<16xi32>
        %add3A_188 = arith.addi %add3A_187, %iota3A : vector<16xi32>
        %lt3A_189 = vector.broadcast %scan3A_79 : i32 to vector<16xi32>
        %lt3A_190 = arith.cmpi slt, %add3A_188, %lt3A_189 : vector<16xi32>
        %get3A = arith.index_cast %mul3A_186 : i32 to index
        %get3A_191 = tpu.vector_load %arg7[%get3A] {strides = array<i32>} : memref<3088xi32, #tpu.memory_space<vmem>>, vector<16xi32>,
        %jit3A_192 = arith.constant 0 : i32
        %broadcast_in_dim3A_193 = vector.broadcast %jit3A_192 : i32 to vector<16xi32>
        %select_n3A_194 = arith.select %lt3A_190, %get3A_191, %broadcast_in_dim3A_193 : vector<16xi1>, vector<16xi32>
        %gather3A = tpu.vector_load_idx %arg6[%select_n3A_194] : memref<3072xi32, #tpu.memory_space<vmem>>[vector<16xi32>], vector<16xi32>,
        %add3A_195 = vector.broadcast %mul3A_1 : i32 to vector<16xi32>
        %add3A_196 = arith.addi %add3A_195, %select_n3A_194 : vector<16xi32>
        %dma_start3A = arith.constant 0 : i32
        %dma_start3A_197 = arith.constant 0 : i32
        %dma_start3A_198 = tpu.memref_slice %arg2[%dma_start3A, %dma_start3A_197] : memref<49152x80xf32, #tpu.memory_space<hbm>> -> memref<49152x80xf32, #tpu.memory_space<hbm>>
        tpu.enqueue_indirect_dma source(%dma_start3A_198 : memref<49152x80xf32, #tpu.memory_space<hbm>>) target(%arg8 : memref<16x80xf32, #tpu.memory_space<vmem>>) offsets(%add3A_196 : vector<16xi32>) semaphore(%arg13 : memref<!tpu.dma_semaphore, #tpu.memory_space<semaphore_mem>>)
        %dma_wait3A = arith.constant 0 : i32
        %dma_wait3A_199 = arith.constant 0 : i32
        %dma_wait3A_200 = tpu.memref_slice %arg2[%dma_wait3A, %dma_wait3A_199] : memref<49152x80xf32, #tpu.memory_space<hbm>> -> memref<49152x80xf32, #tpu.memory_space<hbm>>
        tpu.wait_indirect_dma semaphore(%arg13 : memref<!tpu.dma_semaphore, #tpu.memory_space<semaphore_mem>>) src(%dma_wait3A_200 : memref<49152x80xf32, #tpu.memory_space<hbm>>) dst(%arg8 : memref<16x80xf32, #tpu.memory_space<vmem>>)
        %sub3A_201 = vector.broadcast %mul3A_27 : i32 to vector<16xi32>
        %sub3A_202 = arith.subi %gather3A, %sub3A_201 : vector<16xi32>
        %jit3A_203 = arith.constant 6912 : i32
        %broadcast_in_dim3A_204 = vector.broadcast %jit3A_203 : i32 to vector<16xi32>
        %select_n3A_205 = arith.select %lt3A_190, %sub3A_202, %broadcast_in_dim3A_204 : vector<16xi1>, vector<16xi32>
        "tpu.region"() ({
          %run_scoped3A = tpu.sem_alloc : memref<!tpu.dma_semaphore, #tpu.memory_space<semaphore_mem>>
          %dma_start3A_207 = arith.constant 0 : i32
          %dma_start3A_208 = arith.constant 0 : i32
          %dma_start3A_209 = tpu.memref_slice %arg12[%dma_start3A_207, %dma_start3A_208] : memref<6928x80xf32, #tpu.memory_space<vmem_shared>> -> memref<6928x80xf32, #tpu.memory_space<vmem_shared>>
          tpu.enqueue_indirect_dma source(%arg8 : memref<16x80xf32, #tpu.memory_space<vmem>>) target(%dma_start3A_209 : memref<6928x80xf32, #tpu.memory_space<vmem_shared>>) offsets(%select_n3A_205 : vector<16xi32>) semaphore(%run_scoped3A : memref<!tpu.dma_semaphore, #tpu.memory_space<semaphore_mem>>) {add = true}
          %dma_wait3A_210 = arith.constant 0 : i32
          %dma_wait3A_211 = arith.constant 0 : i32
          %dma_wait3A_212 = tpu.memref_slice %arg12[%dma_wait3A_210, %dma_wait3A_211] : memref<6928x80xf32, #tpu.memory_space<vmem_shared>> -> memref<6928x80xf32, #tpu.memory_space<vmem_shared>>
          tpu.wait_indirect_dma semaphore(%run_scoped3A : memref<!tpu.dma_semaphore, #tpu.memory_space<semaphore_mem>>) src(%arg8 : memref<16x80xf32, #tpu.memory_space<vmem>>) dst(%dma_wait3A_212 : memref<6928x80xf32, #tpu.memory_space<vmem_shared>>)
          tpu.yield
        }) : () -> ()
        %while3A_206 = arith.constant 0 : i32
        scf.yield %while3A_206 : i32
      }
      %while3A_116 = arith.constant 1 : i32
      %while3A_117 = scf.for %while3A_183 = %while3A_113 to %while3A_109 step %while3A_116 iter_args(%while3A_184 = %while3A_115) -> (i32)  : i32 {
        %mul3A_185 = arith.constant 16 : i32
        %mul3A_186 = arith.muli %while3A_183, %mul3A_185 : i32
        %add3A_187 = vector.broadcast %mul3A_186 : i32 to vector<16xi32>
        %add3A_188 = arith.addi %add3A_187, %iota3A : vector<16xi32>
        %lt3A_189 = vector.broadcast %scan3A_79 : i32 to vector<16xi32>
        %lt3A_190 = arith.cmpi slt, %add3A_188, %lt3A_189 : vector<16xi32>
        %get3A = arith.index_cast %mul3A_186 : i32 to index
        %get3A_191 = tpu.vector_load %arg7[%get3A] {strides = array<i32>} : memref<3088xi32, #tpu.memory_space<vmem>>, vector<16xi32>,
        %jit3A_192 = arith.constant 0 : i32
        %broadcast_in_dim3A_193 = vector.broadcast %jit3A_192 : i32 to vector<16xi32>
        %select_n3A_194 = arith.select %lt3A_190, %get3A_191, %broadcast_in_dim3A_193 : vector<16xi1>, vector<16xi32>
        %gather3A = tpu.vector_load_idx %arg6[%select_n3A_194] : memref<3072xi32, #tpu.memory_space<vmem>>[vector<16xi32>], vector<16xi32>,
        %add3A_195 = vector.broadcast %mul3A_1 : i32 to vector<16xi32>
        %add3A_196 = arith.addi %add3A_195, %select_n3A_194 : vector<16xi32>
        %dma_start3A = arith.constant 0 : i32
        %dma_start3A_197 = arith.constant 0 : i32
        %dma_start3A_198 = tpu.memref_slice %arg2[%dma_start3A, %dma_start3A_197] : memref<49152x80xf32, #tpu.memory_space<hbm>> -> memref<49152x80xf32, #tpu.memory_space<hbm>>
        tpu.enqueue_indirect_dma source(%dma_start3A_198 : memref<49152x80xf32, #tpu.memory_space<hbm>>) target(%arg8 : memref<16x80xf32, #tpu.memory_space<vmem>>) offsets(%add3A_196 : vector<16xi32>) semaphore(%arg13 : memref<!tpu.dma_semaphore, #tpu.memory_space<semaphore_mem>>)
        %dma_wait3A = arith.constant 0 : i32
        %dma_wait3A_199 = arith.constant 0 : i32
        %dma_wait3A_200 = tpu.memref_slice %arg2[%dma_wait3A, %dma_wait3A_199] : memref<49152x80xf32, #tpu.memory_space<hbm>> -> memref<49152x80xf32, #tpu.memory_space<hbm>>
        tpu.wait_indirect_dma semaphore(%arg13 : memref<!tpu.dma_semaphore, #tpu.memory_space<semaphore_mem>>) src(%dma_wait3A_200 : memref<49152x80xf32, #tpu.memory_space<hbm>>) dst(%arg8 : memref<16x80xf32, #tpu.memory_space<vmem>>)
        %sub3A_201 = vector.broadcast %mul3A_27 : i32 to vector<16xi32>
        %sub3A_202 = arith.subi %gather3A, %sub3A_201 : vector<16xi32>
        %jit3A_203 = arith.constant 6912 : i32
        %broadcast_in_dim3A_204 = vector.broadcast %jit3A_203 : i32 to vector<16xi32>
        %select_n3A_205 = arith.select %lt3A_190, %sub3A_202, %broadcast_in_dim3A_204 : vector<16xi1>, vector<16xi32>
        "tpu.region"() ({
          %run_scoped3A = tpu.sem_alloc : memref<!tpu.dma_semaphore, #tpu.memory_space<semaphore_mem>>
          %dma_start3A_207 = arith.constant 0 : i32
          %dma_start3A_208 = arith.constant 0 : i32
          %dma_start3A_209 = tpu.memref_slice %arg12[%dma_start3A_207, %dma_start3A_208] : memref<6928x80xf32, #tpu.memory_space<vmem_shared>> -> memref<6928x80xf32, #tpu.memory_space<vmem_shared>>
          tpu.enqueue_indirect_dma source(%arg8 : memref<16x80xf32, #tpu.memory_space<vmem>>) target(%dma_start3A_209 : memref<6928x80xf32, #tpu.memory_space<vmem_shared>>) offsets(%select_n3A_205 : vector<16xi32>) semaphore(%run_scoped3A : memref<!tpu.dma_semaphore, #tpu.memory_space<semaphore_mem>>) {add = true}
          %dma_wait3A_210 = arith.constant 0 : i32
          %dma_wait3A_211 = arith.constant 0 : i32
          %dma_wait3A_212 = tpu.memref_slice %arg12[%dma_wait3A_210, %dma_wait3A_211] : memref<6928x80xf32, #tpu.memory_space<vmem_shared>> -> memref<6928x80xf32, #tpu.memory_space<vmem_shared>>
          tpu.wait_indirect_dma semaphore(%run_scoped3A : memref<!tpu.dma_semaphore, #tpu.memory_space<semaphore_mem>>) src(%arg8 : memref<16x80xf32, #tpu.memory_space<vmem>>) dst(%dma_wait3A_212 : memref<6928x80xf32, #tpu.memory_space<vmem_shared>>)
          tpu.yield
        }) : () -> ()
        %while3A_206 = arith.constant 0 : i32
        scf.yield %while3A_206 : i32
      }
      %barrier3A_118 = arith.constant 0 : index
      tpu.barrier barrier_id(%barrier3A_118)
      %mul3A_119 = arith.constant 432 : i32
      %mul3A_120 = arith.muli %arg1, %mul3A_119 : i32
      %add3A_121 = arith.constant 0 : i32
      %add3A_122 = arith.addi %mul3A_120, %add3A_121 : i32
      "tpu.region"() ({
        %run_scoped3A = tpu.sem_alloc : memref<!tpu.dma_semaphore, #tpu.memory_space<semaphore_mem>>
        %dma_start3A = arith.constant 0 : i32
        %dma_start3A_183 = tpu.memref_slice %arg12[%add3A_122, %dma_start3A] : memref<6928x80xf32, #tpu.memory_space<vmem_shared>> -> memref<144x80xf32, #tpu.memory_space<vmem_shared>>
        %dma_start3A_184 = arith.constant 0 : i32
        %dma_start3A_185 = tpu.memref_slice %arg12[%add3A_122, %dma_start3A_184] : memref<6928x80xf32, #tpu.memory_space<vmem_shared>> -> memref<144x80xf32, #tpu.memory_space<vmem_shared>>
        tpu.enqueue_dma source(%dma_start3A_185 : memref<144x80xf32, #tpu.memory_space<vmem_shared>>) target(%arg9 : memref<144x80xf32, #tpu.memory_space<vmem>>) target_semaphore(%run_scoped3A : memref<!tpu.dma_semaphore, #tpu.memory_space<semaphore_mem>>)
        %dma_wait3A = arith.constant 0 : i32
        %dma_wait3A_186 = tpu.memref_slice %arg12[%add3A_122, %dma_wait3A] : memref<6928x80xf32, #tpu.memory_space<vmem_shared>> -> memref<144x80xf32, #tpu.memory_space<vmem_shared>>
        %dma_wait3A_187 = arith.constant 0 : i32
        %dma_wait3A_188 = tpu.memref_slice %arg12[%add3A_122, %dma_wait3A_187] : memref<6928x80xf32, #tpu.memory_space<vmem_shared>> -> memref<144x80xf32, #tpu.memory_space<vmem_shared>>
        tpu.wait_dma2 semaphore(%run_scoped3A : memref<!tpu.dma_semaphore, #tpu.memory_space<semaphore_mem>>) src(%dma_wait3A_188 : memref<144x80xf32, #tpu.memory_space<vmem_shared>>) dst(%arg9 : memref<144x80xf32, #tpu.memory_space<vmem>>)
        tpu.yield
      }) : () -> ()
      %scan3A_123 = arith.constant 0 : i32
      %scan3A_124 = arith.constant 0 : i32
      %scan3A_125 = arith.constant 144 : i32
      %scan3A_126 = arith.addi %scan3A_124, %scan3A_125 : i32
      %scan3A_127 = arith.constant 1 : i32
      %scan3A_128 = scf.for %scan3A_183 = %scan3A_124 to %scan3A_126 step %scan3A_127 iter_args(%scan3A_184 = %scan3A_123) -> (i32)  : i32 {
        %broadcast_in_dim3A_185 = vector.broadcast %scan3A_183 : i32 to vector<16xi32>
        %get3A = arith.index_cast %scan3A_183 : i32 to index
        %get3A_186 = arith.constant 0 : index
        %get3A_187 = tpu.vector_load %arg9[%get3A, %get3A_186] {strides = array<i32>} : memref<144x80xf32, #tpu.memory_space<vmem>>, vector<16xf32>,
        %add3A_188 = arith.constant 0 : i32
        %add3A_189 = vector.broadcast %add3A_188 : i32 to vector<16xi32>
        %add3A_190 = arith.addi %add3A_189, %iota3A : vector<16xi32>
        tpu.vector_store_idx %arg10[%add3A_190, %broadcast_in_dim3A_185], %get3A_187 : memref<80x144xf32, #tpu.memory_space<vmem>>[vector<16xi32>, vector<16xi32>], vector<16xf32>,
        %get3A_191 = arith.index_cast %scan3A_183 : i32 to index
        %get3A_192 = arith.constant 16 : index
        %get3A_193 = tpu.vector_load %arg9[%get3A_191, %get3A_192] {strides = array<i32>} : memref<144x80xf32, #tpu.memory_space<vmem>>, vector<16xf32>,
        %add3A_194 = arith.constant 16 : i32
        %add3A_195 = vector.broadcast %add3A_194 : i32 to vector<16xi32>
        %add3A_196 = arith.addi %add3A_195, %iota3A : vector<16xi32>
        tpu.vector_store_idx %arg10[%add3A_196, %broadcast_in_dim3A_185], %get3A_193 : memref<80x144xf32, #tpu.memory_space<vmem>>[vector<16xi32>, vector<16xi32>], vector<16xf32>,
        %get3A_197 = arith.index_cast %scan3A_183 : i32 to index
        %get3A_198 = arith.constant 32 : index
        %get3A_199 = tpu.vector_load %arg9[%get3A_197, %get3A_198] {strides = array<i32>} : memref<144x80xf32, #tpu.memory_space<vmem>>, vector<16xf32>,
        %add3A_200 = arith.constant 32 : i32
        %add3A_201 = vector.broadcast %add3A_200 : i32 to vector<16xi32>
        %add3A_202 = arith.addi %add3A_201, %iota3A : vector<16xi32>
        tpu.vector_store_idx %arg10[%add3A_202, %broadcast_in_dim3A_185], %get3A_199 : memref<80x144xf32, #tpu.memory_space<vmem>>[vector<16xi32>, vector<16xi32>], vector<16xf32>,
        %get3A_203 = arith.index_cast %scan3A_183 : i32 to index
        %get3A_204 = arith.constant 48 : index
        %get3A_205 = tpu.vector_load %arg9[%get3A_203, %get3A_204] {strides = array<i32>} : memref<144x80xf32, #tpu.memory_space<vmem>>, vector<16xf32>,
        %add3A_206 = arith.constant 48 : i32
        %add3A_207 = vector.broadcast %add3A_206 : i32 to vector<16xi32>
        %add3A_208 = arith.addi %add3A_207, %iota3A : vector<16xi32>
        tpu.vector_store_idx %arg10[%add3A_208, %broadcast_in_dim3A_185], %get3A_205 : memref<80x144xf32, #tpu.memory_space<vmem>>[vector<16xi32>, vector<16xi32>], vector<16xf32>,
        %get3A_209 = arith.index_cast %scan3A_183 : i32 to index
        %get3A_210 = arith.constant 64 : index
        %get3A_211 = tpu.vector_load %arg9[%get3A_209, %get3A_210] {strides = array<i32>} : memref<144x80xf32, #tpu.memory_space<vmem>>, vector<16xf32>,
        %add3A_212 = arith.constant 64 : i32
        %add3A_213 = vector.broadcast %add3A_212 : i32 to vector<16xi32>
        %add3A_214 = arith.addi %add3A_213, %iota3A : vector<16xi32>
        tpu.vector_store_idx %arg10[%add3A_214, %broadcast_in_dim3A_185], %get3A_211 : memref<80x144xf32, #tpu.memory_space<vmem>>[vector<16xi32>, vector<16xi32>], vector<16xf32>,
        %scan3A_215 = arith.constant 0 : i32
        scf.yield %scan3A_215 : i32
      }
      %scan3A_129 = arith.constant 144 : i32
      %scan3A_130 = arith.constant 0 : i32
      %scan3A_131 = arith.constant 0 : i32
      %scan3A_132 = arith.constant 9 : i32
      %scan3A_133 = arith.addi %scan3A_131, %scan3A_132 : i32
      %scan3A_134 = arith.constant 1 : i32
      %scan3A_135 = scf.for %scan3A_183 = %scan3A_131 to %scan3A_133 step %scan3A_134 iter_args(%scan3A_184 = %scan3A_130) -> (i32)  : i32 {
        %mul3A_185 = arith.constant 16 : i32
        %mul3A_186 = arith.muli %scan3A_183, %mul3A_185 : i32
        %get3A = arith.constant 64 : i32
        %get3A_187 = arith.index_cast %get3A : i32 to index
        %get3A_188 = arith.index_cast %mul3A_186 : i32 to index
        %get3A_189 = tpu.vector_load %arg10[%get3A_187, %get3A_188] {strides = array<i32>} : memref<80x144xf32, #tpu.memory_space<vmem>>, vector<16xf32>,
        %max3A = arith.constant 1.000000e+00 : f32
        %max3A_190 = vector.broadcast %max3A : f32 to vector<16xf32>
        %max3A_191 = arith.maximumf %get3A_189, %max3A_190 : vector<16xf32>
        %div3A_192 = arith.constant 1.000000e+00 : f32
        %div3A_193 = vector.broadcast %div3A_192 : f32 to vector<16xf32>
        %div3A_194 = arith.divf %div3A_193, %max3A_191 : vector<16xf32>
        %scan3A_195 = arith.constant 0 : i32
        %scan3A_196 = arith.constant 0 : i32
        %scan3A_197 = arith.constant 64 : i32
        %scan3A_198 = arith.addi %scan3A_196, %scan3A_197 : i32
        %scan3A_199 = arith.constant 1 : i32
        %scan3A_200 = scf.for %scan3A_203 = %scan3A_196 to %scan3A_198 step %scan3A_199 iter_args(%scan3A_204 = %scan3A_195) -> (i32)  : i32 {
          %mul3A_205 = arith.constant 16 : i32
          %mul3A_206 = arith.muli %scan3A_183, %mul3A_205 : i32
          %get3A_207 = arith.index_cast %scan3A_203 : i32 to index
          %get3A_208 = arith.index_cast %mul3A_206 : i32 to index
          %get3A_209 = tpu.vector_load %arg10[%get3A_207, %get3A_208] {strides = array<i32>} : memref<80x144xf32, #tpu.memory_space<vmem>>, vector<16xf32>,
          %mul3A_210 = arith.mulf %get3A_209, %div3A_194 : vector<16xf32>
          %mul3A_211 = arith.constant 16 : i32
          %mul3A_212 = arith.muli %scan3A_183, %mul3A_211 : i32
          %swap3A = arith.index_cast %scan3A_203 : i32 to index
          %swap3A_213 = arith.index_cast %mul3A_212 : i32 to index
          %swap3A_214 = tpu.vector_load %arg10[%swap3A, %swap3A_213] {strides = array<i32>} : memref<80x144xf32, #tpu.memory_space<vmem>>, vector<16xf32>,
          tpu.vector_store %arg10[%swap3A, %swap3A_213], %mul3A_210 {strides = array<i32>} : memref<80x144xf32, #tpu.memory_space<vmem>>, vector<16xf32>,
          %scan3A_215 = arith.constant 0 : i32
          scf.yield %scan3A_215 : i32
        }
        %scan3A_201 = arith.constant 64 : i32
        %scan3A_202 = arith.constant 0 : i32
        scf.yield %scan3A_202 : i32
      }
      %scan3A_136 = arith.constant 9 : i32
      %mul3A_137 = arith.constant 64 : i32
      %mul3A_138 = arith.muli %add3A, %mul3A_137 : i32
      %add3A_139 = arith.addi %mul3A_61, %add3A_122 : i32
      "tpu.region"() ({
        %run_scoped3A = tpu.sem_alloc : memref<!tpu.dma_semaphore, #tpu.memory_space<semaphore_mem>>
        %dma_start3A = arith.constant 0 : i32
        %dma_start3A_183 = arith.constant 0 : i32
        %dma_start3A_184 = tpu.memref_slice %arg10[%dma_start3A, %dma_start3A_183] : memref<80x144xf32, #tpu.memory_space<vmem>> -> memref<64x144xf32, #tpu.memory_space<vmem>>
        %dma_start3A_185 = tpu.memref_slice %arg4[%mul3A_138, %add3A_139] : memref<256x214272xf32, #tpu.memory_space<hbm>> -> memref<64x144xf32, #tpu.memory_space<hbm>>
        %dma_start3A_186 = tpu.memref_slice %arg4[%mul3A_138, %add3A_139] : memref<256x214272xf32, #tpu.memory_space<hbm>> -> memref<64x144xf32, #tpu.memory_space<hbm>>
        %dma_start3A_187 = arith.constant 0 : i32
        %dma_start3A_188 = arith.constant 0 : i32
        %dma_start3A_189 = tpu.memref_slice %arg10[%dma_start3A_187, %dma_start3A_188] : memref<80x144xf32, #tpu.memory_space<vmem>> -> memref<64x144xf32, #tpu.memory_space<vmem>>
        tpu.enqueue_dma source(%dma_start3A_189 : memref<64x144xf32, #tpu.memory_space<vmem>>) target(%dma_start3A_186 : memref<64x144xf32, #tpu.memory_space<hbm>>) target_semaphore(%run_scoped3A : memref<!tpu.dma_semaphore, #tpu.memory_space<semaphore_mem>>)
        %dma_wait3A = arith.constant 0 : i32
        %dma_wait3A_190 = arith.constant 0 : i32
        %dma_wait3A_191 = tpu.memref_slice %arg10[%dma_wait3A, %dma_wait3A_190] : memref<80x144xf32, #tpu.memory_space<vmem>> -> memref<64x144xf32, #tpu.memory_space<vmem>>
        %dma_wait3A_192 = tpu.memref_slice %arg4[%mul3A_138, %add3A_139] : memref<256x214272xf32, #tpu.memory_space<hbm>> -> memref<64x144xf32, #tpu.memory_space<hbm>>
        %dma_wait3A_193 = tpu.memref_slice %arg4[%mul3A_138, %add3A_139] : memref<256x214272xf32, #tpu.memory_space<hbm>> -> memref<64x144xf32, #tpu.memory_space<hbm>>
        %dma_wait3A_194 = arith.constant 0 : i32
        %dma_wait3A_195 = arith.constant 0 : i32
        %dma_wait3A_196 = tpu.memref_slice %arg10[%dma_wait3A_194, %dma_wait3A_195] : memref<80x144xf32, #tpu.memory_space<vmem>> -> memref<64x144xf32, #tpu.memory_space<vmem>>
        tpu.wait_dma2 semaphore(%run_scoped3A : memref<!tpu.dma_semaphore, #tpu.memory_space<semaphore_mem>>) src(%dma_wait3A_196 : memref<64x144xf32, #tpu.memory_space<vmem>>) dst(%dma_wait3A_193 : memref<64x144xf32, #tpu.memory_space<hbm>>)
        tpu.yield
      }) : () -> ()
      %mul3A_140 = arith.constant 432 : i32
      %mul3A_141 = arith.muli %arg1, %mul3A_140 : i32
      %add3A_142 = arith.constant 144 : i32
      %add3A_143 = arith.addi %mul3A_141, %add3A_142 : i32
      "tpu.region"() ({
        %run_scoped3A = tpu.sem_alloc : memref<!tpu.dma_semaphore, #tpu.memory_space<semaphore_mem>>
        %dma_start3A = arith.constant 0 : i32
        %dma_start3A_183 = tpu.memref_slice %arg12[%add3A_143, %dma_start3A] : memref<6928x80xf32, #tpu.memory_space<vmem_shared>> -> memref<144x80xf32, #tpu.memory_space<vmem_shared>>
        %dma_start3A_184 = arith.constant 0 : i32
        %dma_start3A_185 = tpu.memref_slice %arg12[%add3A_143, %dma_start3A_184] : memref<6928x80xf32, #tpu.memory_space<vmem_shared>> -> memref<144x80xf32, #tpu.memory_space<vmem_shared>>
        tpu.enqueue_dma source(%dma_start3A_185 : memref<144x80xf32, #tpu.memory_space<vmem_shared>>) target(%arg9 : memref<144x80xf32, #tpu.memory_space<vmem>>) target_semaphore(%run_scoped3A : memref<!tpu.dma_semaphore, #tpu.memory_space<semaphore_mem>>)
        %dma_wait3A = arith.constant 0 : i32
        %dma_wait3A_186 = tpu.memref_slice %arg12[%add3A_143, %dma_wait3A] : memref<6928x80xf32, #tpu.memory_space<vmem_shared>> -> memref<144x80xf32, #tpu.memory_space<vmem_shared>>
        %dma_wait3A_187 = arith.constant 0 : i32
        %dma_wait3A_188 = tpu.memref_slice %arg12[%add3A_143, %dma_wait3A_187] : memref<6928x80xf32, #tpu.memory_space<vmem_shared>> -> memref<144x80xf32, #tpu.memory_space<vmem_shared>>
        tpu.wait_dma2 semaphore(%run_scoped3A : memref<!tpu.dma_semaphore, #tpu.memory_space<semaphore_mem>>) src(%dma_wait3A_188 : memref<144x80xf32, #tpu.memory_space<vmem_shared>>) dst(%arg9 : memref<144x80xf32, #tpu.memory_space<vmem>>)
        tpu.yield
      }) : () -> ()
      %scan3A_144 = arith.constant 0 : i32
      %scan3A_145 = arith.constant 0 : i32
      %scan3A_146 = arith.constant 144 : i32
      %scan3A_147 = arith.addi %scan3A_145, %scan3A_146 : i32
      %scan3A_148 = arith.constant 1 : i32
      %scan3A_149 = scf.for %scan3A_183 = %scan3A_145 to %scan3A_147 step %scan3A_148 iter_args(%scan3A_184 = %scan3A_144) -> (i32)  : i32 {
        %broadcast_in_dim3A_185 = vector.broadcast %scan3A_183 : i32 to vector<16xi32>
        %get3A = arith.index_cast %scan3A_183 : i32 to index
        %get3A_186 = arith.constant 0 : index
        %get3A_187 = tpu.vector_load %arg9[%get3A, %get3A_186] {strides = array<i32>} : memref<144x80xf32, #tpu.memory_space<vmem>>, vector<16xf32>,
        %add3A_188 = arith.constant 0 : i32
        %add3A_189 = vector.broadcast %add3A_188 : i32 to vector<16xi32>
        %add3A_190 = arith.addi %add3A_189, %iota3A : vector<16xi32>
        tpu.vector_store_idx %arg10[%add3A_190, %broadcast_in_dim3A_185], %get3A_187 : memref<80x144xf32, #tpu.memory_space<vmem>>[vector<16xi32>, vector<16xi32>], vector<16xf32>,
        %get3A_191 = arith.index_cast %scan3A_183 : i32 to index
        %get3A_192 = arith.constant 16 : index
        %get3A_193 = tpu.vector_load %arg9[%get3A_191, %get3A_192] {strides = array<i32>} : memref<144x80xf32, #tpu.memory_space<vmem>>, vector<16xf32>,
        %add3A_194 = arith.constant 16 : i32
        %add3A_195 = vector.broadcast %add3A_194 : i32 to vector<16xi32>
        %add3A_196 = arith.addi %add3A_195, %iota3A : vector<16xi32>
        tpu.vector_store_idx %arg10[%add3A_196, %broadcast_in_dim3A_185], %get3A_193 : memref<80x144xf32, #tpu.memory_space<vmem>>[vector<16xi32>, vector<16xi32>], vector<16xf32>,
        %get3A_197 = arith.index_cast %scan3A_183 : i32 to index
        %get3A_198 = arith.constant 32 : index
        %get3A_199 = tpu.vector_load %arg9[%get3A_197, %get3A_198] {strides = array<i32>} : memref<144x80xf32, #tpu.memory_space<vmem>>, vector<16xf32>,
        %add3A_200 = arith.constant 32 : i32
        %add3A_201 = vector.broadcast %add3A_200 : i32 to vector<16xi32>
        %add3A_202 = arith.addi %add3A_201, %iota3A : vector<16xi32>
        tpu.vector_store_idx %arg10[%add3A_202, %broadcast_in_dim3A_185], %get3A_199 : memref<80x144xf32, #tpu.memory_space<vmem>>[vector<16xi32>, vector<16xi32>], vector<16xf32>,
        %get3A_203 = arith.index_cast %scan3A_183 : i32 to index
        %get3A_204 = arith.constant 48 : index
        %get3A_205 = tpu.vector_load %arg9[%get3A_203, %get3A_204] {strides = array<i32>} : memref<144x80xf32, #tpu.memory_space<vmem>>, vector<16xf32>,
        %add3A_206 = arith.constant 48 : i32
        %add3A_207 = vector.broadcast %add3A_206 : i32 to vector<16xi32>
        %add3A_208 = arith.addi %add3A_207, %iota3A : vector<16xi32>
        tpu.vector_store_idx %arg10[%add3A_208, %broadcast_in_dim3A_185], %get3A_205 : memref<80x144xf32, #tpu.memory_space<vmem>>[vector<16xi32>, vector<16xi32>], vector<16xf32>,
        %get3A_209 = arith.index_cast %scan3A_183 : i32 to index
        %get3A_210 = arith.constant 64 : index
        %get3A_211 = tpu.vector_load %arg9[%get3A_209, %get3A_210] {strides = array<i32>} : memref<144x80xf32, #tpu.memory_space<vmem>>, vector<16xf32>,
        %add3A_212 = arith.constant 64 : i32
        %add3A_213 = vector.broadcast %add3A_212 : i32 to vector<16xi32>
        %add3A_214 = arith.addi %add3A_213, %iota3A : vector<16xi32>
        tpu.vector_store_idx %arg10[%add3A_214, %broadcast_in_dim3A_185], %get3A_211 : memref<80x144xf32, #tpu.memory_space<vmem>>[vector<16xi32>, vector<16xi32>], vector<16xf32>,
        %scan3A_215 = arith.constant 0 : i32
        scf.yield %scan3A_215 : i32
      }
      %scan3A_150 = arith.constant 144 : i32
      %scan3A_151 = arith.constant 0 : i32
      %scan3A_152 = arith.constant 0 : i32
      %scan3A_153 = arith.constant 9 : i32
      %scan3A_154 = arith.addi %scan3A_152, %scan3A_153 : i32
      %scan3A_155 = arith.constant 1 : i32
      %scan3A_156 = scf.for %scan3A_183 = %scan3A_152 to %scan3A_154 step %scan3A_155 iter_args(%scan3A_184 = %scan3A_151) -> (i32)  : i32 {
        %mul3A_185 = arith.constant 16 : i32
        %mul3A_186 = arith.muli %scan3A_183, %mul3A_185 : i32
        %get3A = arith.constant 64 : i32
        %get3A_187 = arith.index_cast %get3A : i32 to index
        %get3A_188 = arith.index_cast %mul3A_186 : i32 to index
        %get3A_189 = tpu.vector_load %arg10[%get3A_187, %get3A_188] {strides = array<i32>} : memref<80x144xf32, #tpu.memory_space<vmem>>, vector<16xf32>,
        %max3A = arith.constant 1.000000e+00 : f32
        %max3A_190 = vector.broadcast %max3A : f32 to vector<16xf32>
        %max3A_191 = arith.maximumf %get3A_189, %max3A_190 : vector<16xf32>
        %div3A_192 = arith.constant 1.000000e+00 : f32
        %div3A_193 = vector.broadcast %div3A_192 : f32 to vector<16xf32>
        %div3A_194 = arith.divf %div3A_193, %max3A_191 : vector<16xf32>
        %scan3A_195 = arith.constant 0 : i32
        %scan3A_196 = arith.constant 0 : i32
        %scan3A_197 = arith.constant 64 : i32
        %scan3A_198 = arith.addi %scan3A_196, %scan3A_197 : i32
        %scan3A_199 = arith.constant 1 : i32
        %scan3A_200 = scf.for %scan3A_203 = %scan3A_196 to %scan3A_198 step %scan3A_199 iter_args(%scan3A_204 = %scan3A_195) -> (i32)  : i32 {
          %mul3A_205 = arith.constant 16 : i32
          %mul3A_206 = arith.muli %scan3A_183, %mul3A_205 : i32
          %get3A_207 = arith.index_cast %scan3A_203 : i32 to index
          %get3A_208 = arith.index_cast %mul3A_206 : i32 to index
          %get3A_209 = tpu.vector_load %arg10[%get3A_207, %get3A_208] {strides = array<i32>} : memref<80x144xf32, #tpu.memory_space<vmem>>, vector<16xf32>,
          %mul3A_210 = arith.mulf %get3A_209, %div3A_194 : vector<16xf32>
          %mul3A_211 = arith.constant 16 : i32
          %mul3A_212 = arith.muli %scan3A_183, %mul3A_211 : i32
          %swap3A = arith.index_cast %scan3A_203 : i32 to index
          %swap3A_213 = arith.index_cast %mul3A_212 : i32 to index
          %swap3A_214 = tpu.vector_load %arg10[%swap3A, %swap3A_213] {strides = array<i32>} : memref<80x144xf32, #tpu.memory_space<vmem>>, vector<16xf32>,
          tpu.vector_store %arg10[%swap3A, %swap3A_213], %mul3A_210 {strides = array<i32>} : memref<80x144xf32, #tpu.memory_space<vmem>>, vector<16xf32>,
          %scan3A_215 = arith.constant 0 : i32
          scf.yield %scan3A_215 : i32
        }
        %scan3A_201 = arith.constant 64 : i32
        %scan3A_202 = arith.constant 0 : i32
        scf.yield %scan3A_202 : i32
      }
      %scan3A_157 = arith.constant 9 : i32
      %mul3A_158 = arith.constant 64 : i32
      %mul3A_159 = arith.muli %add3A, %mul3A_158 : i32
      %add3A_160 = arith.addi %mul3A_61, %add3A_143 : i32
      "tpu.region"() ({
        %run_scoped3A = tpu.sem_alloc : memref<!tpu.dma_semaphore, #tpu.memory_space<semaphore_mem>>
        %dma_start3A = arith.constant 0 : i32
        %dma_start3A_183 = arith.constant 0 : i32
        %dma_start3A_184 = tpu.memref_slice %arg10[%dma_start3A, %dma_start3A_183] : memref<80x144xf32, #tpu.memory_space<vmem>> -> memref<64x144xf32, #tpu.memory_space<vmem>>
        %dma_start3A_185 = tpu.memref_slice %arg4[%mul3A_159, %add3A_160] : memref<256x214272xf32, #tpu.memory_space<hbm>> -> memref<64x144xf32, #tpu.memory_space<hbm>>
        %dma_start3A_186 = tpu.memref_slice %arg4[%mul3A_159, %add3A_160] : memref<256x214272xf32, #tpu.memory_space<hbm>> -> memref<64x144xf32, #tpu.memory_space<hbm>>
        %dma_start3A_187 = arith.constant 0 : i32
        %dma_start3A_188 = arith.constant 0 : i32
        %dma_start3A_189 = tpu.memref_slice %arg10[%dma_start3A_187, %dma_start3A_188] : memref<80x144xf32, #tpu.memory_space<vmem>> -> memref<64x144xf32, #tpu.memory_space<vmem>>
        tpu.enqueue_dma source(%dma_start3A_189 : memref<64x144xf32, #tpu.memory_space<vmem>>) target(%dma_start3A_186 : memref<64x144xf32, #tpu.memory_space<hbm>>) target_semaphore(%run_scoped3A : memref<!tpu.dma_semaphore, #tpu.memory_space<semaphore_mem>>)
        %dma_wait3A = arith.constant 0 : i32
        %dma_wait3A_190 = arith.constant 0 : i32
        %dma_wait3A_191 = tpu.memref_slice %arg10[%dma_wait3A, %dma_wait3A_190] : memref<80x144xf32, #tpu.memory_space<vmem>> -> memref<64x144xf32, #tpu.memory_space<vmem>>
        %dma_wait3A_192 = tpu.memref_slice %arg4[%mul3A_159, %add3A_160] : memref<256x214272xf32, #tpu.memory_space<hbm>> -> memref<64x144xf32, #tpu.memory_space<hbm>>
        %dma_wait3A_193 = tpu.memref_slice %arg4[%mul3A_159, %add3A_160] : memref<256x214272xf32, #tpu.memory_space<hbm>> -> memref<64x144xf32, #tpu.memory_space<hbm>>
        %dma_wait3A_194 = arith.constant 0 : i32
        %dma_wait3A_195 = arith.constant 0 : i32
        %dma_wait3A_196 = tpu.memref_slice %arg10[%dma_wait3A_194, %dma_wait3A_195] : memref<80x144xf32, #tpu.memory_space<vmem>> -> memref<64x144xf32, #tpu.memory_space<vmem>>
        tpu.wait_dma2 semaphore(%run_scoped3A : memref<!tpu.dma_semaphore, #tpu.memory_space<semaphore_mem>>) src(%dma_wait3A_196 : memref<64x144xf32, #tpu.memory_space<vmem>>) dst(%dma_wait3A_193 : memref<64x144xf32, #tpu.memory_space<hbm>>)
        tpu.yield
      }) : () -> ()
      %mul3A_161 = arith.constant 432 : i32
      %mul3A_162 = arith.muli %arg1, %mul3A_161 : i32
      %add3A_163 = arith.constant 288 : i32
      %add3A_164 = arith.addi %mul3A_162, %add3A_163 : i32
      "tpu.region"() ({
        %run_scoped3A = tpu.sem_alloc : memref<!tpu.dma_semaphore, #tpu.memory_space<semaphore_mem>>
        %dma_start3A = arith.constant 0 : i32
        %dma_start3A_183 = tpu.memref_slice %arg12[%add3A_164, %dma_start3A] : memref<6928x80xf32, #tpu.memory_space<vmem_shared>> -> memref<144x80xf32, #tpu.memory_space<vmem_shared>>
        %dma_start3A_184 = arith.constant 0 : i32
        %dma_start3A_185 = tpu.memref_slice %arg12[%add3A_164, %dma_start3A_184] : memref<6928x80xf32, #tpu.memory_space<vmem_shared>> -> memref<144x80xf32, #tpu.memory_space<vmem_shared>>
        tpu.enqueue_dma source(%dma_start3A_185 : memref<144x80xf32, #tpu.memory_space<vmem_shared>>) target(%arg9 : memref<144x80xf32, #tpu.memory_space<vmem>>) target_semaphore(%run_scoped3A : memref<!tpu.dma_semaphore, #tpu.memory_space<semaphore_mem>>)
        %dma_wait3A = arith.constant 0 : i32
        %dma_wait3A_186 = tpu.memref_slice %arg12[%add3A_164, %dma_wait3A] : memref<6928x80xf32, #tpu.memory_space<vmem_shared>> -> memref<144x80xf32, #tpu.memory_space<vmem_shared>>
        %dma_wait3A_187 = arith.constant 0 : i32
        %dma_wait3A_188 = tpu.memref_slice %arg12[%add3A_164, %dma_wait3A_187] : memref<6928x80xf32, #tpu.memory_space<vmem_shared>> -> memref<144x80xf32, #tpu.memory_space<vmem_shared>>
        tpu.wait_dma2 semaphore(%run_scoped3A : memref<!tpu.dma_semaphore, #tpu.memory_space<semaphore_mem>>) src(%dma_wait3A_188 : memref<144x80xf32, #tpu.memory_space<vmem_shared>>) dst(%arg9 : memref<144x80xf32, #tpu.memory_space<vmem>>)
        tpu.yield
      }) : () -> ()
      %scan3A_165 = arith.constant 0 : i32
      %scan3A_166 = arith.constant 0 : i32
      %scan3A_167 = arith.constant 144 : i32
      %scan3A_168 = arith.addi %scan3A_166, %scan3A_167 : i32
      %scan3A_169 = arith.constant 1 : i32
      %scan3A_170 = scf.for %scan3A_183 = %scan3A_166 to %scan3A_168 step %scan3A_169 iter_args(%scan3A_184 = %scan3A_165) -> (i32)  : i32 {
        %broadcast_in_dim3A_185 = vector.broadcast %scan3A_183 : i32 to vector<16xi32>
        %get3A = arith.index_cast %scan3A_183 : i32 to index
        %get3A_186 = arith.constant 0 : index
        %get3A_187 = tpu.vector_load %arg9[%get3A, %get3A_186] {strides = array<i32>} : memref<144x80xf32, #tpu.memory_space<vmem>>, vector<16xf32>,
        %add3A_188 = arith.constant 0 : i32
        %add3A_189 = vector.broadcast %add3A_188 : i32 to vector<16xi32>
        %add3A_190 = arith.addi %add3A_189, %iota3A : vector<16xi32>
        tpu.vector_store_idx %arg10[%add3A_190, %broadcast_in_dim3A_185], %get3A_187 : memref<80x144xf32, #tpu.memory_space<vmem>>[vector<16xi32>, vector<16xi32>], vector<16xf32>,
        %get3A_191 = arith.index_cast %scan3A_183 : i32 to index
        %get3A_192 = arith.constant 16 : index
        %get3A_193 = tpu.vector_load %arg9[%get3A_191, %get3A_192] {strides = array<i32>} : memref<144x80xf32, #tpu.memory_space<vmem>>, vector<16xf32>,
        %add3A_194 = arith.constant 16 : i32
        %add3A_195 = vector.broadcast %add3A_194 : i32 to vector<16xi32>
        %add3A_196 = arith.addi %add3A_195, %iota3A : vector<16xi32>
        tpu.vector_store_idx %arg10[%add3A_196, %broadcast_in_dim3A_185], %get3A_193 : memref<80x144xf32, #tpu.memory_space<vmem>>[vector<16xi32>, vector<16xi32>], vector<16xf32>,
        %get3A_197 = arith.index_cast %scan3A_183 : i32 to index
        %get3A_198 = arith.constant 32 : index
        %get3A_199 = tpu.vector_load %arg9[%get3A_197, %get3A_198] {strides = array<i32>} : memref<144x80xf32, #tpu.memory_space<vmem>>, vector<16xf32>,
        %add3A_200 = arith.constant 32 : i32
        %add3A_201 = vector.broadcast %add3A_200 : i32 to vector<16xi32>
        %add3A_202 = arith.addi %add3A_201, %iota3A : vector<16xi32>
        tpu.vector_store_idx %arg10[%add3A_202, %broadcast_in_dim3A_185], %get3A_199 : memref<80x144xf32, #tpu.memory_space<vmem>>[vector<16xi32>, vector<16xi32>], vector<16xf32>,
        %get3A_203 = arith.index_cast %scan3A_183 : i32 to index
        %get3A_204 = arith.constant 48 : index
        %get3A_205 = tpu.vector_load %arg9[%get3A_203, %get3A_204] {strides = array<i32>} : memref<144x80xf32, #tpu.memory_space<vmem>>, vector<16xf32>,
        %add3A_206 = arith.constant 48 : i32
        %add3A_207 = vector.broadcast %add3A_206 : i32 to vector<16xi32>
        %add3A_208 = arith.addi %add3A_207, %iota3A : vector<16xi32>
        tpu.vector_store_idx %arg10[%add3A_208, %broadcast_in_dim3A_185], %get3A_205 : memref<80x144xf32, #tpu.memory_space<vmem>>[vector<16xi32>, vector<16xi32>], vector<16xf32>,
        %get3A_209 = arith.index_cast %scan3A_183 : i32 to index
        %get3A_210 = arith.constant 64 : index
        %get3A_211 = tpu.vector_load %arg9[%get3A_209, %get3A_210] {strides = array<i32>} : memref<144x80xf32, #tpu.memory_space<vmem>>, vector<16xf32>,
        %add3A_212 = arith.constant 64 : i32
        %add3A_213 = vector.broadcast %add3A_212 : i32 to vector<16xi32>
        %add3A_214 = arith.addi %add3A_213, %iota3A : vector<16xi32>
        tpu.vector_store_idx %arg10[%add3A_214, %broadcast_in_dim3A_185], %get3A_211 : memref<80x144xf32, #tpu.memory_space<vmem>>[vector<16xi32>, vector<16xi32>], vector<16xf32>,
        %scan3A_215 = arith.constant 0 : i32
        scf.yield %scan3A_215 : i32
      }
      %scan3A_171 = arith.constant 144 : i32
      %scan3A_172 = arith.constant 0 : i32
      %scan3A_173 = arith.constant 0 : i32
      %scan3A_174 = arith.constant 9 : i32
      %scan3A_175 = arith.addi %scan3A_173, %scan3A_174 : i32
      %scan3A_176 = arith.constant 1 : i32
      %scan3A_177 = scf.for %scan3A_183 = %scan3A_173 to %scan3A_175 step %scan3A_176 iter_args(%scan3A_184 = %scan3A_172) -> (i32)  : i32 {
        %mul3A_185 = arith.constant 16 : i32
        %mul3A_186 = arith.muli %scan3A_183, %mul3A_185 : i32
        %get3A = arith.constant 64 : i32
        %get3A_187 = arith.index_cast %get3A : i32 to index
        %get3A_188 = arith.index_cast %mul3A_186 : i32 to index
        %get3A_189 = tpu.vector_load %arg10[%get3A_187, %get3A_188] {strides = array<i32>} : memref<80x144xf32, #tpu.memory_space<vmem>>, vector<16xf32>,
        %max3A = arith.constant 1.000000e+00 : f32
        %max3A_190 = vector.broadcast %max3A : f32 to vector<16xf32>
        %max3A_191 = arith.maximumf %get3A_189, %max3A_190 : vector<16xf32>
        %div3A_192 = arith.constant 1.000000e+00 : f32
        %div3A_193 = vector.broadcast %div3A_192 : f32 to vector<16xf32>
        %div3A_194 = arith.divf %div3A_193, %max3A_191 : vector<16xf32>
        %scan3A_195 = arith.constant 0 : i32
        %scan3A_196 = arith.constant 0 : i32
        %scan3A_197 = arith.constant 64 : i32
        %scan3A_198 = arith.addi %scan3A_196, %scan3A_197 : i32
        %scan3A_199 = arith.constant 1 : i32
        %scan3A_200 = scf.for %scan3A_203 = %scan3A_196 to %scan3A_198 step %scan3A_199 iter_args(%scan3A_204 = %scan3A_195) -> (i32)  : i32 {
          %mul3A_205 = arith.constant 16 : i32
          %mul3A_206 = arith.muli %scan3A_183, %mul3A_205 : i32
          %get3A_207 = arith.index_cast %scan3A_203 : i32 to index
          %get3A_208 = arith.index_cast %mul3A_206 : i32 to index
          %get3A_209 = tpu.vector_load %arg10[%get3A_207, %get3A_208] {strides = array<i32>} : memref<80x144xf32, #tpu.memory_space<vmem>>, vector<16xf32>,
          %mul3A_210 = arith.mulf %get3A_209, %div3A_194 : vector<16xf32>
          %mul3A_211 = arith.constant 16 : i32
          %mul3A_212 = arith.muli %scan3A_183, %mul3A_211 : i32
          %swap3A = arith.index_cast %scan3A_203 : i32 to index
          %swap3A_213 = arith.index_cast %mul3A_212 : i32 to index
          %swap3A_214 = tpu.vector_load %arg10[%swap3A, %swap3A_213] {strides = array<i32>} : memref<80x144xf32, #tpu.memory_space<vmem>>, vector<16xf32>,
          tpu.vector_store %arg10[%swap3A, %swap3A_213], %mul3A_210 {strides = array<i32>} : memref<80x144xf32, #tpu.memory_space<vmem>>, vector<16xf32>,
          %scan3A_215 = arith.constant 0 : i32
          scf.yield %scan3A_215 : i32
        }
        %scan3A_201 = arith.constant 64 : i32
        %scan3A_202 = arith.constant 0 : i32
        scf.yield %scan3A_202 : i32
      }
      %scan3A_178 = arith.constant 9 : i32
      %mul3A_179 = arith.constant 64 : i32
      %mul3A_180 = arith.muli %add3A, %mul3A_179 : i32
      %add3A_181 = arith.addi %mul3A_61, %add3A_164 : i32
      "tpu.region"() ({
        %run_scoped3A = tpu.sem_alloc : memref<!tpu.dma_semaphore, #tpu.memory_space<semaphore_mem>>
        %dma_start3A = arith.constant 0 : i32
        %dma_start3A_183 = arith.constant 0 : i32
        %dma_start3A_184 = tpu.memref_slice %arg10[%dma_start3A, %dma_start3A_183] : memref<80x144xf32, #tpu.memory_space<vmem>> -> memref<64x144xf32, #tpu.memory_space<vmem>>
        %dma_start3A_185 = tpu.memref_slice %arg4[%mul3A_180, %add3A_181] : memref<256x214272xf32, #tpu.memory_space<hbm>> -> memref<64x144xf32, #tpu.memory_space<hbm>>
        %dma_start3A_186 = tpu.memref_slice %arg4[%mul3A_180, %add3A_181] : memref<256x214272xf32, #tpu.memory_space<hbm>> -> memref<64x144xf32, #tpu.memory_space<hbm>>
        %dma_start3A_187 = arith.constant 0 : i32
        %dma_start3A_188 = arith.constant 0 : i32
        %dma_start3A_189 = tpu.memref_slice %arg10[%dma_start3A_187, %dma_start3A_188] : memref<80x144xf32, #tpu.memory_space<vmem>> -> memref<64x144xf32, #tpu.memory_space<vmem>>
        tpu.enqueue_dma source(%dma_start3A_189 : memref<64x144xf32, #tpu.memory_space<vmem>>) target(%dma_start3A_186 : memref<64x144xf32, #tpu.memory_space<hbm>>) target_semaphore(%run_scoped3A : memref<!tpu.dma_semaphore, #tpu.memory_space<semaphore_mem>>)
        %dma_wait3A = arith.constant 0 : i32
        %dma_wait3A_190 = arith.constant 0 : i32
        %dma_wait3A_191 = tpu.memref_slice %arg10[%dma_wait3A, %dma_wait3A_190] : memref<80x144xf32, #tpu.memory_space<vmem>> -> memref<64x144xf32, #tpu.memory_space<vmem>>
        %dma_wait3A_192 = tpu.memref_slice %arg4[%mul3A_180, %add3A_181] : memref<256x214272xf32, #tpu.memory_space<hbm>> -> memref<64x144xf32, #tpu.memory_space<hbm>>
        %dma_wait3A_193 = tpu.memref_slice %arg4[%mul3A_180, %add3A_181] : memref<256x214272xf32, #tpu.memory_space<hbm>> -> memref<64x144xf32, #tpu.memory_space<hbm>>
        %dma_wait3A_194 = arith.constant 0 : i32
        %dma_wait3A_195 = arith.constant 0 : i32
        %dma_wait3A_196 = tpu.memref_slice %arg10[%dma_wait3A_194, %dma_wait3A_195] : memref<80x144xf32, #tpu.memory_space<vmem>> -> memref<64x144xf32, #tpu.memory_space<vmem>>
        tpu.wait_dma2 semaphore(%run_scoped3A : memref<!tpu.dma_semaphore, #tpu.memory_space<semaphore_mem>>) src(%dma_wait3A_196 : memref<64x144xf32, #tpu.memory_space<vmem>>) dst(%dma_wait3A_193 : memref<64x144xf32, #tpu.memory_space<hbm>>)
        tpu.yield
      }) : () -> ()
      %scan3A_182 = arith.constant 0 : i32
      scf.yield %scan3A_182 : i32
    }
    %scan3A_23 = arith.constant 62 : i32
    return
  }
}

</mosaic_0001>

<sc_bundles>
// kernel: _run.3.cloned.1.call-start
scs
__scs_entry_jumppad:
0x0: {  	(pc) =	sbr.rel $0x88, $3  }
0x1: {  	(tag) =	ssettag $0x0;
	lr =	simm.s32 $0x1  }
0x2: {  	[smem:$0x3F9F] =	sst lr;
	_ =	strace $0xD0000000  }
0x3: {  	_ = 	snop  }
0x4: {  	_ = 	snop  }
0x5: {  	_ = 	snop  }
0x6: {  	_ = 	snop  }
0x7: {  	_ = 	snop  }
__scs_overlays_trampoline_lowered:
0x8: {  	[smem:$0x3FAE] =	sst s0  }
0x9: {  	[smem:$0x3FAF] =	sst s1  }
0xa: {  	[smem:$0x3FB0] =	sst s2  }
0xb: {  	[smem:$0x3FB1] =	sst s3  }
0xc: {  	[smem:$0x3FB2] =	sst s4  }
0xd: {  	[smem:$0x3FB3] =	sst s5  }
0xe: {  	[smem:$0x3FB4] =	sst s6  }
0xf: {  	[smem:$0x3FB5] =	sst s7  }
0x10: {  	[smem:$0x3FB6] =	sst s8  }
0x11: {  	[smem:$0x3FB7] =	sst s9;
	s0 =	simm.s32 @!p0 $0x0  }
0x12: {  	s1 =	sld [smem:$0x3F9D];
	s0 =	simm.s32 @p0 $0x1  }
0x13: {  	[smem:$0x3FB8] =	sst s0;
	s0 =	simm.s32 @!p1 $0x0  }
0x14: {  	s2 =	sld [smem:$0x3F9C];
	s0 =	simm.s32 @p1 $0x1  }
0x15: {  	[smem:$0x3FB9] =	sst s0;
	s0 =	simm.s32 @!p2 $0x0  }
0x16: {  	s3 =	sld [smem:$0x3FDB];
	s0 =	simm.s32 @p2 $0x1  }
0x17: {  	s4 =	simm.s32 $0x1BF5;
	[smem:$0x3FBB] =	sst s0  }
0x18: {  	s0 =	sld [smem:$0x3F9E];
	_ =	swait.ge [sflag:s4], $0x0  }
0x19: {  	s7 =	sld [smem:$0x3F9F]  }
0x1a: {  	s8 =	sadd.s32 $0xFFFFE003, lr  }
0x1b: {  	s9 =	sadd.s32 $0xFFFFFEF7, lr;
	s5 =	simm.s32 $0xFFFFFFFF;
	p2 =	slt.u32 s8, $0xFFFFF086  }
0x1c: {  	p1 =	slt.u32 s9, $0xF7A;
	s5 =	simm.s32 @!p2 $0x0  }
0x1d: {  	s5 =	simm.s32 @p1 $0x1;
	p0 =	seq.s32 s7, s2  }
0x1e: {  	s7 =	smul.u32 @!p0 $0xF7A, s2;
	p2 =	seq.s32 @!p0 s5, $0x0  }
0x1f: {  	s9 =	smul.u32 $0xF7A, s1;
	s8 =	simm.s32 @!p0 $0x1BF5;
	p2 =	por !p2, p0  }
0x20: {  	[sflag:s8] =	ssyncset.s32 @!p0 $0xFFFFF086;
	s6 =	sadd.s32 @!p0 s3, s7;
	s7 =	simm.s32 @!p0 $0x108  }
0x21: {  	s3 =	sadd.s32 s3, s9;
	s6 =	sadd.s32 @!p0 $0x88, s6;
	s7 =	simm.s32 @p2 $0x1082  }
0x22: {  	[simem:s7], [sflag:s8] =	dma.local @!p0 [hbm:s6], $0xF7A  }
0x23: {  	s9 =	sor.u32 $0xD0000000, s2;
	s6 =	simm.s32 $0x108;
	_ =	swait.ge @!p0 [sflag:s8], $0x0  }
0x24: {  	s3 =	sadd.s32 $0x88, s3;
	s6 =	simm.s32 @!p1 $0x1082;
	[sflag:s4] =	ssyncset.s32 $0xFFFFF086  }
0x25: {  	[simem:s6], [sflag:s4] =	dma.local [hbm:s3], $0xF7A  }
0x26: {  	[smem:$0x3F9F] =	sst s1;
	(tag) =	ssettag s2;
	_ =	strace s9  }
0x27: {  	s1 =	sld [smem:$0x3FAF]  }
0x28: {  	s2 =	sld [smem:$0x3FB0]  }
0x29: {  	s4 =	sld [smem:$0x3FB2]  }
0x2a: {  	p0 =	seq.s32 s5, $0x0;
	s5 =	sld [smem:$0x3FB3]  }
0x2b: {  	s6 =	sld [smem:$0x3FB4]  }
0x2c: {  	s7 =	sld [smem:$0x3FB5]  }
0x2d: {  	s3 =	simm.s32 $0x108;
	s8 =	sld [smem:$0x3FB6]  }
0x2e: {  	s3 =	simm.s32 @!p0 $0x1082;
	s9 =	sld [smem:$0x3FB7]  }
0x2f: {  	lr =	sadd.s32 s0, s3;
	s0 =	sld [smem:$0x3FAE]  }
0x30: {  	s3 =	sld [smem:$0x3FB1]  }
0x31: {  	[smem:$0x3FBA] =	sst s10  }
0x32: {  	s10 =	sld [smem:$0x3FB8];
	_ =	sdelay $0x3  }
0x33: {  	p0 =	seq.s32 s10, $0x1;
	s10 =	sld [smem:$0x3FBA];
	_ =	sdelay $0x3  }
0x34: {  	[smem:$0x3FBA] =	sst s10  }
0x35: {  	s10 =	sld [smem:$0x3FB9];
	_ =	sdelay $0x3  }
0x36: {  	p1 =	seq.s32 s10, $0x1;
	s10 =	sld [smem:$0x3FBA];
	_ =	sdelay $0x3  }
0x37: {  	[smem:$0x3FBA] =	sst s10  }
0x38: {  	s10 =	sld [smem:$0x3FBB]  }
0x39: {  	_ = 	snop;
	(pc) =	sbr.ind lr, $3  }
0x3a: {  	_ = 	snop  }
0x3b: {  	_ = 	snop  }
0x3c: {  	p2 =	seq.s32 s10, $0x1;
	s10 =	sld [smem:$0x3FBA]  }
0x3d: {  	_ =	shalt  }
0x3e: {  	_ =	shalt  }
0x3f: {  	_ =	shalt  }
0x40: {  	_ =	shalt  }
0x41: {  	_ =	shalt  }
0x42: {  	_ =	shalt  }
0x43: {  	_ =	shalt  }
0x44: {  	_ =	shalt  }
0x45: {  	_ =	shalt  }
0x46: {  	_ =	shalt  }
0x47: {  	_ =	shalt  }
0x48: {  	_ =	shalt  }
0x49: {  	_ =	shalt  }
0x4a: {  	_ =	shalt  }
0x4b: {  	_ =	shalt  }
0x4c: {  	_ =	shalt  }
0x4d: {  	_ =	shalt  }
0x4e: {  	_ =	shalt  }
0x4f: {  	_ =	shalt  }
0x50: {  	_ =	shalt  }
0x51: {  	_ =	shalt  }
0x52: {  	_ =	shalt  }
0x53: {  	_ =	shalt  }
0x54: {  	_ =	shalt  }
0x55: {  	_ =	shalt  }
0x56: {  	_ =	shalt  }
0x57: {  	_ =	shalt  }
0x58: {  	_ =	shalt  }
0x59: {  	_ =	shalt  }
0x5a: {  	_ =	shalt  }
0x5b: {  	_ =	shalt  }
0x5c: {  	_ =	shalt  }
0x5d: {  	_ =	shalt  }
0x5e: {  	_ =	shalt  }
0x5f: {  	_ =	shalt  }
0x60: {  	_ =	shalt  }
0x61: {  	_ =	shalt  }
0x62: {  	_ =	shalt  }
0x63: {  	_ =	shalt  }
0x64: {  	_ =	shalt  }
0x65: {  	_ =	shalt  }
0x66: {  	_ =	shalt  }
0x67: {  	_ =	shalt  }
0x68: {  	_ =	shalt  }
0x69: {  	_ =	shalt  }
0x6a: {  	_ =	shalt  }
0x6b: {  	_ =	shalt  }
0x6c: {  	_ =	shalt  }
0x6d: {  	_ =	shalt  }
0x6e: {  	_ =	shalt  }
0x6f: {  	_ =	shalt  }
0x70: {  	_ =	shalt  }
0x71: {  	_ =	shalt  }
0x72: {  	_ =	shalt  }
0x73: {  	_ =	shalt  }
0x74: {  	_ =	shalt  }
0x75: {  	_ =	shalt  }
0x76: {  	_ =	shalt  }
0x77: {  	_ =	shalt  }
0x78: {  	_ =	shalt  }
0x79: {  	_ =	shalt  }
0x7a: {  	_ =	shalt  }
0x7b: {  	_ =	shalt  }
0x7c: {  	_ =	shalt  }
0x7d: {  	_ =	shalt  }
0x7e: {  	_ =	shalt  }
0x7f: {  	_ =	shalt  }
0x80: {  	_ =	shalt  }
0x81: {  	_ =	shalt  }
0x82: {  	_ =	shalt  }
0x83: {  	_ =	shalt  }
0x84: {  	_ =	shalt  }
0x85: {  	_ =	shalt  }
0x86: {  	_ =	shalt  }
0x87: {  	_ =	shalt  }
.Lfunc_end0:
.L_simem_size_0:
called_computation_lowered:
.L_overlay_start_0:
0x88: {  	s2 =	sld [smem:$0x3FD9]  }
0x89: {  	s3 =	sld [smem:$0x3FFE];
	_ =	sdelay $0x1  }
0x8a: {  	s1 =	srdreg.scid  }
0x8b: {  	s0 =	sand.u32 $0x1, s1  }
0x8c: {  	s17 =	sshll.u32 s0, $0xA;
	s2 =	sadd.s32 s3, s2  }
0x8d: {  	s2 =	sadd.s32 s2, s17  }
0x8e: {  	[smem:$0x3FC6] =	sst s2  }
0x8f: {  	_ = 	snop  }
0x90: {  	s2 =	sld [smem:$0x3FD0];
	(tm) =	ssettm $0x1  }
0x91: {  	s18 =	sld [smem:$0x3FFB];
	_ =	sdelay $0x3  }
0x92: {  	_ =	strace s18  }
0x93: {  	s3 =	sld [smem:$0x3FFC];
	_ =	sdelay $0x3  }
0x94: {  	_ =	strace s3  }
0x95: {  	s3 =	sld [smem:$0x3FFD];
	_ =	sdelay $0x3  }
0x96: {  	_ =	strace s3  }
0x97: {  	_ =	strace $0x8FFFFFFF  }
0x98: {  	s19 =	sld [smem:$0x3FDB];
	_ =	sdelay $0x1  }
0x99: {  	s4 =	simm.s32 $_scs_section_size  }
0x9a: {  	s5 =	simm.s32 $_size__tile_overlayer_lowered;
	s6 =	simm.s32 $_tile_overlayer_lowered  }
0x9b: {  	s22 =	simm.s32 $0x1BFF;
	s21 =	sshll.u32 s6, $0x1;
	s3 =	sadd.s32 s4, s19  }
0x9c: {  	s7 =	simm.s32 $0x0;
	s20 =	sshll.u32 s5, $0x1;
	s5 =	sadd.s32 s21, s3  }
0x9d: {  	[timem:s7], [sflag:s22] =	dma.local [hbm:s5], s20  }
0x9e: {  	_ =	swait.ge [sflag:s22], s20  }
0x9f: {  	s4 =	ssub.s32 $0x0, s20;
	[sflag:s22] =	ssyncset.done $0x0  }
0xa0: {  	[sflag:s22] =	ssyncadd.s32 s4;
	_ =	sdelay $0x1  }
0xa1: {  	s23 =	simm.s32 $0x1B8B  }
0xa2: {  	_ =	swait.ge [sflag:s23], $0x1  }
0xa3: {  	[sflag:s23] =	ssyncset.done $0x0  }
0xa4: {  	s25 =	simm.s32 $0x1B8E;
	s24 =	sld [smem:$0x3FFE];
	[sflag:s23] =	ssyncadd.s32 $0xFFFFFFFF  }
0xa5: {  	s26 =	simm.s32 $execute0_lowered;
	[smem:$0x3FD2] =	sst s25  }
0xa6: {  	s5 =	sshll.u32 s26, $0x1;
	_ =	strace $0x80000046;
	[dreg:$0x1] =	wrdreg $0xFFFFFFFF  }
0xa7: {  	s28 =	simm.s32 $_size_execute0_lowered;
	s3 =	sadd.s32 s3, s5;
	[dreg:$0x0] =	wrdreg $0x0  }
0xa8: {  	s5 =	sshll.u32 s28, $0x1;
	[dreg:$0x2] =	wrdreg s3  }
0xa9: {  	[dreg:$0x3] =	wrdreg s5  }
0xaa: {  	[dreg:$0x4] =	wrdreg $0xC0  }
0xab: {  	_ =	task [dreg:s7], $0x5FFFF  }
0xac: {  	[dreg:$0x1] =	wrdreg $0xFFFFFFFF  }
0xad: {  	[dreg:$0x0] =	wrdreg $0x60  }
0xae: {  	[dreg:$0x2] =	wrdreg s2  }
0xaf: {  	[dreg:$0x3] =	wrdreg s24  }
0xb0: {  	[dreg:$0x4] =	wrdreg $0xD4100  }
0xb1: {  	[dreg:$0x5] =	wrdreg $0x9  }
0xb2: {  	_ =	task.clear_ibuf [dreg:s7], $0x6FFFF;
	_ =	strace $0x90000046  }
0xb3: {  	s29 =	simm.s32 $0x9;
	_ =	strace $0x80000048  }
0xb4: {  	_ =	swait.ge [sflag:s29], $0x1  }
0xb5: {  	[sflag:s29] =	ssyncadd.s32 $0xFFFFFFFF  }
0xb6: {  	_ =	strace $0x90000048  }
0xb7: {  	_ =	sfence  }
0xb8: {  	s30 =	sld [smem:$0x0];
	_ =	sdelay $0x2  }
0xb9: {  	s31 =	sshll.u32 s1, $0xD;
	s1 =	sshrl.u32 s1, $0x2  }
0xba: {  	s3 =	sand.u32 $0x4000, s31;
	s1 =	sadd.s32 s1, s30  }
0xbb: {  	s0 =	sor.u32 s3, s0;
	s1 =	sshll.u32 s1, $0x11  }
0xbc: {  	s0 =	sor.u32 s1, s0  }
0xbd: {  	s0 =	sadd.s32 $0x8F2B, s0  }
0xbe: {  	[sflag:s0] =	ssyncadd.remote.s32 $0x1  }
0xbf: {  	_ =	sfence.sel $0xFFFF  }
0xc0: {  	[dreg:$0x0] =	wrdreg $0xFFFFFFFF;
	(pc) =	sbr.abs _section_cstart, $3  }
0xc1: {  	[dreg:$0x1] =	wrdreg $0xFFFFFFFF  }
0xc2: {  	_ =	task.clear_ibuf [dreg:s7], $0x2FFFF;
	_ =	strace $0x9FFFFFFF  }
0xc3: {  	(tm) =	ssettm $0x7FFFFFFF  }
tec
execute0_lowered:
.L_overlay_start_1:
0x0: {  	(tag) =	ssettag $0x1  }
0x1: {  	s1 =	rddreg [dreg:$0x0]  }
0x2: {  	s0 =	rddreg [dreg:$0x1]  }
0x3: {  	s3 =	rddreg [dreg:$0x2];
	s4 =	simm.s32 $0x0;
	s7 =	stileid.u32  }
0x4: {  	s5 =	srdreg.scid;
	s17 =	simm.s32 $0x2;
	s18 =	simm.s32 $0xA710  }
0x5: {  	s19 =	simm.s32 $0x3C00;
	s20 =	simm.s32 $0x1;
	s21 =	simm.s32 $0x3000  }
0x6: {  	s22 =	simm.s32 $0x4810;
	s23 =	simm.s32 $0x4D10;
	s24 =	simm.s32 $0x7A10  }
0x7: {  	s25 =	simm.s32 $0x90;
	s26 =	simm.s32 $0x34500;
	s2 =	smul.u32 $0xC00, s7  }
0x8: {  	[smem:$0x7FF] =	sst s4;
	s13 =	sand.u32 $0x1, s5;
	s5 =	smul.u32 $0x1B0, s7  }
0x9: {  	s28 =	simm.s32 $0x0;
	s10 =	smul.u32 $0x21C00, s7;
	_ =	strace $0x80000047  }
0xa: {  	s30 =	ssub.s32 $0x2, s13;
	s15 =	smul.u32 $0xFFF97600, s13;
	s13 =	sshll.u32 s13, $0x7  }
0xb: {  	s6 =	sshrl.u32 s2, $0x3;
	s9 =	sshrl.u32 s30, $0x1;
	s7 =	sadd.s32 $0x90, s5  }
0xc: {  	v0 =	vlaneseq.u32;
	s31 =	sshrl.u32 s10, $0x2;
	s10 =	sadd.s32 $0x16800, s10;
	s8 =	sadd.s32 s6, s0  }
0xd: {  	v1 =	vmul.u32 $0x90, v0;
	s6 =	sadd.s32 $0x6400, s0;
	s0 =	ssub.s32 s30, s9;
	s11 =	smul.u32 $0x140, s7  }
0xe: {  	v4 =	vimm.f32 $0.0e+00;
	v5 =	vimm.s32 $0x0;
	vm0 =	vmmov $0xffff;
	s9 =	sadd.s32 s31, s3;
	s12 =	sshrl.u32 s10, $0x2;
	s8 =	sadd.s32 $0x400, s8  }
0xf: {  	v3 =	vmov s2;
	v6 =	vadd.s32 $0x900, v1;
	v7 =	vadd.s32 $0x1200, v1;
	s12 =	sadd.s32 s12, s3;
	s14 =	smax.u32 s0, $0x1;
	s11 =	sshrl.u32 s11, $0x2  }
0x10: {  	v8 =	vadd.s32 $0x1B00, v1;
	v9 =	vadd.s32 $0x2400, v1;
	v2 =	vmov s15;
	[dreg:$0x4] =	wrdreg s8;
	s10 =	sadd.s32 s11, s3;
	s11 =	sadd.s32 $0x120, s5  }
.LBB2_1:
0x11: {  	s0 =	rddreg [dreg:$0x4];
	s2 =	simm.s32 $0xC00;
	s8 =	simm.s32 $0xC000  }
0x12: {  	[tilespmem:s4], [sflag:$0x2] =	stream.strided.gather [hbm4b:s0+s2], $0x3000, s8, s2, $0x38;
	[tilespmem:$0x15B60] =	vst v63  }
0x13: {  	_ =	swait.ge [sflag:s17], $0x3000  }
0x14: {  	[sflag:s17] =	ssyncset.done $0x0  }
0x15: {  	s0 =	simm.s32 $0x0;
	[sflag:s17] =	ssyncadd.s32 $0xFFFFD000  }
0x16: {  	v11 =	vld [tilespmem:s0+$0x0]  }
0x17: {  	v12 =	vld [tilespmem:s0+$0x1800];
	_ =	sdelay $0x2  }
0x18: {  	s2 =	simm.s32 $0x40;
	v10 =	vld [tilespmem:s0+$0x2400]  }
.LBB2_2:
0x19: {  	s15 =	sshra.s32 s2, $0x2;
	p0 =	sne.s32 s2, $0x2FC0;
	s2 =	sadd.s32 $0x40, s2;
	v13 =	vmul.u32 $0x34500, v11  }
.Ltmp0:
0x1a: {  	v11 =	vld [tilespmem:s15+$0x0];
	v14 =	vmul.u32 $0x1B0, v12;
	(pc) =	sbr.rel @p0 .LBB2_2-.Ltmp0, $4  }
0x1b: {  	v12 =	vld [tilespmem:s15+$0x1800];
	v13 =	vadd.s32 v2, v13  }
0x1c: {  	v13 =	vadd.s32 v14, v13  }
0x1d: {  	v13 =	vadd.s32 v10, v13  }
0x1e: {  	v10 =	vld [tilespmem:s15+$0x2400];
	[tilespmem:s0+$0x3000] =	vst v13;
	s0 =	smov.u32 s15  }
0x1f: {  	v11 =	vmul.u32 $0x34500, v11  }
0x20: {  	s29 =	simm.s32 $0x0;
	v12 =	vmul.u32 $0x1B0, v12  }
0x21: {  	s2 =	smul.u32 $0xCCCD, s29;
	v11 =	vadd.s32 v2, v11  }
0x22: {  	v11 =	vadd.s32 v12, v11  }
0x23: {  	s2 =	sshrl.u32 s2, $0x12;
	v10 =	vadd.s32 v10, v11  }
0x24: {  	s30 =	simm.s32 $0x0;
	s15 =	smul.u32 $0x5, s2;
	[tilespmem:s0+$0x3000] =	vst v10;
	s0 =	simm.s32 $0x1  }
.LBB2_4:
0x25: {  	s31 =	smul.u32 $0xCCCD, s0  }
0x26: {  	s16 =	smov.u32 s0;
	s2 =	smul.u32 $0x140, s2;
	p0 =	sne.s32 s0, $0x2CF  }
.Ltmp1:
0x27: {  	s15 =	ssub.s32 s30, s15;
	(pc) =	sbr.rel @p0 .LBB2_4-.Ltmp1, $4  }
0x28: {  	s0 =	sadd.s32 $0x1, s0;
	s15 =	sand.u32 $0xFFFF, s15  }
0x29: {  	s30 =	smov.u32 s16;
	s8 =	sshrl.u32 s2, $0x2;
	s15 =	sshll.u32 s15, $0x4  }
0x2a: {  	s2 =	sshrl.u32 s31, $0x12;
	s8 =	sadd.s32 s15, s8  }
0x2b: {  	s15 =	smul.u32 $0x5, s2;
	[tilespmem:s8+$0xA710] =	vst v4  }
0x2c: {  	_ = 	snop  }
0x2d: {  	s2 =	smul.u32 $0x140, s2;
	s0 =	ssub.s32 s30, s15  }
0x2e: {  	s0 =	sand.u32 $0xFFFF, s0  }
0x2f: {  	s2 =	sshrl.u32 s2, $0x2;
	s0 =	sshll.u32 s0, $0x4  }
0x30: {  	s0 =	sadd.s32 s0, s2  }
0x31: {  	[tilespmem:s0+$0xA710] =	vst v4  }
.LBB2_6:
0x32: {  	[spmem:s9] =	stream.linear.scatter [tilespmem:s18], [sflag:$0x2], $0x2D00, $0x38;
	[tilespmem:$0x15B60] =	vst v63  }
0x33: {  	_ =	swait.ge [sflag:s17], $0x2D00  }
0x34: {  	[sflag:s17] =	ssyncset.done $0x0  }
0x35: {  	[sflag:s17] =	ssyncadd.s32 $0xFFFFD300  }
0x36: {  	[spmem:s10] =	stream.linear.scatter [tilespmem:s18], [sflag:$0x2], $0x2D00, $0x38;
	[tilespmem:$0x15B60] =	vst v63  }
0x37: {  	_ =	swait.ge [sflag:s17], $0x2D00  }
0x38: {  	[sflag:s17] =	ssyncset.done $0x0  }
0x39: {  	[sflag:s17] =	ssyncadd.s32 $0xFFFFD300  }
0x3a: {  	[spmem:s12] =	stream.linear.scatter [tilespmem:s18], [sflag:$0x2], $0x2D00, $0x38;
	[tilespmem:$0x15B60] =	vst v63  }
0x3b: {  	_ =	swait.ge [sflag:s17], $0x2D00  }
0x3c: {  	[sflag:s17] =	ssyncset.done $0x0  }
0x3d: {  	[sflag:s17] =	ssyncadd.s32 $0xFFFFD300  }
0x3e: {  	s0 =	simm.s32 $0x3000;
	[bflag:$0x0] =	sbarrier.arrive $0xFFFF  }
0x3f: {  	v12 =	vld [tilespmem:s0+$0x0]  }
0x40: {  	s16 =	smul.u32 $0x1B00, s29;
	_ =	sdelay $0x1  }
0x41: {  	s2 =	sadd.s32 $0x1B00, s16  }
0x42: {  	v10 =	vmov s16;
	v11 =	vmov s2  }
0x43: {  	vm1 =	vge.s32 v12, v10;
	vm2 =	vlt.s32 v12, v11  }
0x44: {  	vm1 =	vmand vm1, vm2  }
0x45: {  	v12 =	vmpcnt.ones.xlane vm1;
	_ =	sdelay $0x1  }
0x46: {  	(v2sf) =	vpush v12, $0x0;
	v12 =	vsel vm1, $0x1, v5  }
0x47: {  	(xrf0) =	vadd.scan.msk.s32 $0xffff, v12;
	_ =	sdelay $0x1  }
0x48: {  	s0 =	simm.s32 $0x0  }
0x49: {  	v12 =	vmov s0  }
0x4a: {  	v12 =	vadd.s32 $0xFFFFFFFF, v12  }
0x4b: {  	v12 =	vbroadcast v12, $0x0  }
0x4c: {  	v13, _, _ =	vpop (xrf0)  }
0x4d: {  	v12 =	vadd.s32 v13, v12;
	_ =	sdelay $0x3  }
0x4e: {  	v13 =	vor.u32 s0, v0  }
0x4f: {  	s2 =	simm.s32 $0x3010;
	[tilespmem:v12+s19+$0x0] =	vst.idx.msk vm1, v13  }
0x50: {  	v12 =	vld [tilespmem:s2+$0x0];
	_ =	sdelay $0x1  }
0x51: {  	s30 =	simm.s32 $0x10;
	s31 =	simm.s32 $0x20;
	s15 =	spop (v2sf)  }
.LBB2_7:
0x52: {  	p0 =	sne.s32 s31, $0xBF0  }
0x53: {  	s0 =	sadd.s32 s0, s15;
	s8 =	smov.u32 s31;
	s31 =	sadd.s32 $0x10, s31  }
0x54: {  	vm1 =	vge.s32 v12, v10;
	vm2 =	vlt.s32 v12, v11;
	v12 =	vmov s0  }
0x55: {  	vm1 =	vmand vm1, vm2;
	v12 =	vadd.s32 $0xFFFFFFFF, v12  }
0x56: {  	v13 =	vsel vm1, $0x1, v5;
	v14 =	vmpcnt.ones.xlane vm1  }
0x57: {  	(xrf0) =	vadd.scan.msk.s32 $0xffff, v13  }
0x58: {  	(v2sf) =	vpush v14, $0x0;
	_ =	sdelay $0x3  }
0x59: {  	v12 =	vbroadcast v12, $0x0  }
0x5a: {  	v13, _, _ =	vpop (xrf0)  }
0x5b: {  	v12 =	vadd.s32 v13, v12;
	_ =	sdelay $0x3  }
0x5c: {  	v13 =	vor.u32 s30, v0;
	s30 =	smov.u32 s8  }
.Ltmp2:
0x5d: {  	s2 =	sadd.s32 $0x10, s2;
	[tilespmem:v12+s19+$0x0] =	vst.idx.msk vm1, v13;
	(pc) =	sbr.rel @p0 .LBB2_7-.Ltmp2, $2  }
0x5e: {  	v12 =	vld [tilespmem:s2+$0x0];
	_ =	sdelay $0x2  }
0x5f: {  	s15 =	spop (v2sf)  }
0x60: {  	_ = 	snop  }
0x61: {  	vm1 =	vge.s32 v12, v10;
	vm2 =	vlt.s32 v12, v11  }
0x62: {  	vm1 =	vmand vm1, vm2  }
0x63: {  	v11 =	vmpcnt.ones.xlane vm1;
	_ =	sdelay $0x1  }
0x64: {  	(v2sf) =	vpush v11, $0x0;
	_ =	sdelay $0xe  }
0x65: {  	s0 =	sadd.s32 s0, s15;
	s2 =	spop (v2sf)  }
0x66: {  	v11 =	vsel vm1, $0x1, v5;
	s2 =	sadd.s32 s0, s2  }
0x67: {  	(xrf0) =	vadd.scan.msk.s32 $0xffff, v11;
	v11 =	vmov s0;
	s0 =	sadd.s32 $0xF, s2  }
0x68: {  	s8 =	sand.u32 $0xF, s0  }
0x69: {  	s31 =	sshra.s32 s0, $0x1F;
	p1 =	slt.s32 s0, $0x1;
	p0 =	sne.s32 s8, $0x0  }
0x6a: {  	s8 =	sshrl.u32 s31, $0x1C;
	p0 =	por !p1, !p0  }
0x6b: {  	v11 =	vadd.s32 $0xFFFFFFFF, v11;
	s0 =	sadd.s32 s8, s0;
	s8 =	simm.s32 $0x1;
	p0 =	por !p0, !p0  }
0x6c: {  	v11 =	vbroadcast v11, $0x0;
	s0 =	sshra.s32 s0, $0x4;
	s8 =	simm.s32 @!p0 $0x0  }
0x6d: {  	v62, _, _ =	vpop (xrf0);
	s0 =	ssub.s32 s0, s8  }
0x6e: {  	v11 =	vadd.s32 v62, v11;
	p0 =	slt.s32 s0, $0x1  }
.Ltmp3:
0x6f: {  	_ = 	snop;
	(pc) =	sbr.rel @p0 .LBB2_11-.Ltmp3, $3  }
0x70: {  	_ =	sdelay $0x1  }
0x71: {  	v63 =	vor.u32 s30, v0  }
0x72: {  	[tilespmem:v11+s19+$0x0] =	vst.idx.msk vm1, v63  }
0x73: {  	v11 =	vmov s2;
	s2 =	simm.s32 $0x3C00;
	s30 =	simm.s32 $0x0  }
.LBB2_10:
0x74: {  	v12 =	vld [tilespmem:s2+$0x0];
	_ =	sdelay $0x2  }
0x75: {  	v13 =	vor.u32 s30, v0  }
0x76: {  	vm1 =	vlt.s32 v13, v11  }
0x77: {  	v12 =	vnsel vm1, $0x0, v12;
	_ =	sdelay $0x4  }
0x78: {  	v63 =	vld.idx.msk [tilespmem:v12+s21+$0x0], $0xffff;
	_ =	sdelay $0x1  }
0x79: {  	v12 =	vadd.s32 v3, v12;
	_ =	sdelay $0x2  }
0x7a: {  	v13 =	vsub.s32 v63, v10  }
0x7b: {  	v13 =	vnsel vm1, $0x1B00, v13  }
0x7c: {  	[tilespmem:s22], [sflag:$0x1] =	stream.indirect_vreg.gather [hbm4b:s1+s4], $0x50, v12, vm0, $0xb8;
	[tilespmem:$0x15B60] =	vst v63  }
0x7d: {  	_ =	swait.ge [sflag:s20], $0x500  }
0x7e: {  	p0 =	sne.s32 s0, $0x1;
	[sflag:s20] =	ssyncset.done $0x0  }
.Ltmp4:
0x7f: {  	[sflag:s20] =	ssyncadd.s32 $0xFFFFFB00;
	(pc) =	sbr.rel @p0 .LBB2_10-.Ltmp4, $4  }
0x80: {  	[spmem:s3] =	stream.indirect_vreg.scatter.add.f32 [tilespmem:s22], [sflag:$0x2], $0x50, v13, vm0, $0xb8;
	[tilespmem:$0x15B60] =	vst v63  }
0x81: {  	_ =	swait.ge [sflag:s17], $0x500  }
0x82: {  	s2 =	sadd.s32 $0x10, s2;
	[sflag:s17] =	ssyncset.done $0x0  }
0x83: {  	s30 =	sadd.s32 $0x10, s30;
	s0 =	sadd.s32 $0xFFFFFFFF, s0;
	[sflag:s17] =	ssyncadd.s32 $0xFFFFFB00  }
.LBB2_11:
0x84: {  	[bflag:$0x0] =	sbarrier.arrive $0xFFFF  }
0x85: {  	[tilespmem:s23], [sflag:$0x2] =	stream.linear.gather [spmem:s9], $0x2D00, $0x38;
	[tilespmem:$0x15B60] =	vst v63  }
0x86: {  	s0 =	simm.s32 $0x0;
	_ =	swait.ge [sflag:s17], $0x2D00  }
0x87: {  	v10 =	vmov s0;
	[sflag:s17] =	ssyncset.done $0x0  }
0x88: {  	s31 =	simm.s32 $0x4D30;
	v11 =	vand.u32 $0xFF, v10;
	[sflag:s17] =	ssyncadd.s32 $0xFFFFD300  }
0x89: {  	v12 =	vadd.s32 v1, v11;
	v10 =	vld [tilespmem:s31+$0xFFFFFFE0];
	_ =	sdelay $0x4  }
0x8a: {  	[tilespmem:v12+s24+$0x0] =	vst.idx.msk $0xffff, v10  }
0x8b: {  	v12 =	vadd.s32 v6, v11;
	v10 =	vld [tilespmem:s31+$0xFFFFFFF0];
	_ =	sdelay $0x4  }
0x8c: {  	[tilespmem:v12+s24+$0x0] =	vst.idx.msk $0xffff, v10  }
0x8d: {  	v12 =	vadd.s32 v7, v11;
	v10 =	vld [tilespmem:s31+$0x0];
	_ =	sdelay $0x4  }
0x8e: {  	[tilespmem:v12+s24+$0x0] =	vst.idx.msk $0xffff, v10  }
0x8f: {  	v12 =	vadd.s32 v8, v11;
	v10 =	vld [tilespmem:s31+$0x10];
	_ =	sdelay $0x4  }
0x90: {  	[tilespmem:v12+s24+$0x0] =	vst.idx.msk $0xffff, v10  }
0x91: {  	v11 =	vadd.s32 v9, v11;
	v10 =	vld [tilespmem:s31+$0x20];
	_ =	sdelay $0x1  }
0x92: {  	s16 =	sadd.s32 $0xFFFFFFE1, s29  }
0x93: {  	s2 =	simm.s32 $0x1;
	s0 =	smin.u32 s29, s16  }
0x94: {  	s30 =	smul.u32 $0x1B00, s0;
	s0 =	simm.s32 $0x2;
	v12 =	vmov s2  }
.LBB2_12:
0x95: {  	p0 =	sne.s32 s0, $0x8F;
	v12 =	vand.u32 $0xFF, v12;
	[tilespmem:v11+s24+$0x0] =	vst.idx.msk $0xffff, v10;
	s31 =	sadd.s32 $0x50, s31  }
0x96: {  	v10 =	vld [tilespmem:s31+$0xFFFFFFE0];
	v11 =	vadd.s32 v1, v12;
	_ =	sdelay $0x4  }
0x97: {  	[tilespmem:v11+s24+$0x0] =	vst.idx.msk $0xffff, v10  }
0x98: {  	v11 =	vadd.s32 v6, v12;
	v10 =	vld [tilespmem:s31+$0xFFFFFFF0];
	_ =	sdelay $0x4  }
0x99: {  	[tilespmem:v11+s24+$0x0] =	vst.idx.msk $0xffff, v10  }
0x9a: {  	v11 =	vadd.s32 v7, v12;
	v10 =	vld [tilespmem:s31+$0x0];
	_ =	sdelay $0x4  }
0x9b: {  	[tilespmem:v11+s24+$0x0] =	vst.idx.msk $0xffff, v10  }
0x9c: {  	v11 =	vadd.s32 v8, v12;
	v10 =	vld [tilespmem:s31+$0x10];
	_ =	sdelay $0x4  }
0x9d: {  	[tilespmem:v11+s24+$0x0] =	vst.idx.msk $0xffff, v10  }
.Ltmp5:
0x9e: {  	v11 =	vadd.s32 v9, v12;
	v10 =	vld [tilespmem:s31+$0x20];
	(pc) =	sbr.rel @p0 .LBB2_12-.Ltmp5, $2  }
0x9f: {  	_ =	sdelay $0x2  }
0xa0: {  	v12 =	vmov s0;
	s0 =	sadd.s32 $0x1, s0  }
0xa1: {  	_ =	sdelay $0x3  }
0xa2: {  	v12 =	vand.u32 $0xFF, v12;
	[tilespmem:v11+s24+$0x0] =	vst.idx.msk $0xffff, v10;
	s0 =	sadd.s32 $0x50, s31  }
0xa3: {  	v10 =	vld [tilespmem:s0+$0xFFFFFFE0];
	v11 =	vadd.s32 v1, v12;
	_ =	sdelay $0x4  }
0xa4: {  	[tilespmem:v11+s24+$0x0] =	vst.idx.msk $0xffff, v10  }
0xa5: {  	v11 =	vadd.s32 v6, v12;
	v10 =	vld [tilespmem:s0+$0xFFFFFFF0];
	_ =	sdelay $0x4  }
0xa6: {  	[tilespmem:v11+s24+$0x0] =	vst.idx.msk $0xffff, v10  }
0xa7: {  	v11 =	vadd.s32 v7, v12;
	v10 =	vld [tilespmem:s0+$0x0];
	_ =	sdelay $0x4  }
0xa8: {  	[tilespmem:v11+s24+$0x0] =	vst.idx.msk $0xffff, v10  }
0xa9: {  	v11 =	vadd.s32 v8, v12;
	v10 =	vld [tilespmem:s0+$0x10];
	_ =	sdelay $0x4  }
0xaa: {  	[tilespmem:v11+s24+$0x0] =	vst.idx.msk $0xffff, v10  }
0xab: {  	v11 =	vadd.s32 v9, v12;
	v10 =	vld [tilespmem:s0+$0x20];
	_ =	sdelay $0x4  }
0xac: {  	[tilespmem:v11+s24+$0x0] =	vst.idx.msk $0xffff, v10  }
0xad: {  	v10 =	vld [tilespmem:$0x9E10];
	_ =	sdelay $0x4  }
0xae: {  	v10 =	vmax.f32 v10, $1.000000000e+00  }
0xaf: {  	(erf) = vrcp.f32 v10;
	_ =	sdelay $0x8  }
0xb0: {  	s2 =	simm.s32 $0x240;
	s0 =	simm.s32 $0x0;
	v10 =	vpop (erf)  }
.LBB2_14:
0xb1: {  	p0 =	sne.s32 s2, $0x8DC0;
	v11 =	vld [tilespmem:s0+$0x7A10];
	_ =	sdelay $0x2  }
.Ltmp6:
0xb2: {  	(pc) =	sbr.rel @p0 .LBB2_14-.Ltmp6, $3  }
0xb3: {  	_ = 	snop  }
0xb4: {  	v11 =	vmul.f32 v11, v10;
	_ =	sdelay $0x1  }
0xb5: {  	[tilespmem:s0+$0x7A10] =	vst v11;
	s0 =	sshra.s32 s2, $0x2;
	s2 =	sadd.s32 $0x240, s2  }
0xb6: {  	v11 =	vld [tilespmem:s0+$0x7A10];
	_ =	sdelay $0x4  }
0xb7: {  	v10 =	vmul.f32 v11, v10;
	_ =	sdelay $0x1  }
0xb8: {  	[tilespmem:s0+$0x7A10] =	vst v10  }
0xb9: {  	v10 =	vld [tilespmem:$0x9E20];
	_ =	sdelay $0x4  }
0xba: {  	v10 =	vmax.f32 v10, $1.000000000e+00  }
0xbb: {  	(erf) = vrcp.f32 v10;
	_ =	sdelay $0x8  }
0xbc: {  	s2 =	simm.s32 $0x280;
	s0 =	simm.s32 $0x10;
	v10 =	vpop (erf)  }
.LBB2_16:
0xbd: {  	p0 =	sne.s32 s2, $0x8E00;
	v11 =	vld [tilespmem:s0+$0x7A10];
	_ =	sdelay $0x2  }
.Ltmp7:
0xbe: {  	(pc) =	sbr.rel @p0 .LBB2_16-.Ltmp7, $3  }
0xbf: {  	_ = 	snop  }
0xc0: {  	v11 =	vmul.f32 v11, v10;
	_ =	sdelay $0x1  }
0xc1: {  	[tilespmem:s0+$0x7A10] =	vst v11;
	s0 =	sshra.s32 s2, $0x2;
	s2 =	sadd.s32 $0x240, s2  }
0xc2: {  	v11 =	vld [tilespmem:s0+$0x7A10];
	_ =	sdelay $0x4  }
0xc3: {  	v10 =	vmul.f32 v11, v10;
	_ =	sdelay $0x1  }
0xc4: {  	[tilespmem:s0+$0x7A10] =	vst v10  }
0xc5: {  	v10 =	vld [tilespmem:$0x9E30];
	_ =	sdelay $0x4  }
0xc6: {  	v10 =	vmax.f32 v10, $1.000000000e+00  }
0xc7: {  	(erf) = vrcp.f32 v10;
	_ =	sdelay $0x8  }
0xc8: {  	s2 =	simm.s32 $0x2C0;
	s0 =	simm.s32 $0x20;
	v10 =	vpop (erf)  }
.LBB2_18:
0xc9: {  	p0 =	sne.s32 s2, $0x8E40;
	v11 =	vld [tilespmem:s0+$0x7A10];
	_ =	sdelay $0x2  }
.Ltmp8:
0xca: {  	(pc) =	sbr.rel @p0 .LBB2_18-.Ltmp8, $3  }
0xcb: {  	_ = 	snop  }
0xcc: {  	v11 =	vmul.f32 v11, v10;
	_ =	sdelay $0x1  }
0xcd: {  	[tilespmem:s0+$0x7A10] =	vst v11;
	s0 =	sshra.s32 s2, $0x2;
	s2 =	sadd.s32 $0x240, s2  }
0xce: {  	v11 =	vld [tilespmem:s0+$0x7A10];
	_ =	sdelay $0x4  }
0xcf: {  	v10 =	vmul.f32 v11, v10;
	_ =	sdelay $0x1  }
0xd0: {  	[tilespmem:s0+$0x7A10] =	vst v10  }
0xd1: {  	v10 =	vld [tilespmem:$0x9E40];
	_ =	sdelay $0x4  }
0xd2: {  	v10 =	vmax.f32 v10, $1.000000000e+00  }
0xd3: {  	(erf) = vrcp.f32 v10;
	_ =	sdelay $0x8  }
0xd4: {  	s2 =	simm.s32 $0x300;
	s0 =	simm.s32 $0x30;
	v10 =	vpop (erf)  }
.LBB2_20:
0xd5: {  	p0 =	sne.s32 s2, $0x8E80;
	v11 =	vld [tilespmem:s0+$0x7A10];
	_ =	sdelay $0x2  }
.Ltmp9:
0xd6: {  	(pc) =	sbr.rel @p0 .LBB2_20-.Ltmp9, $3  }
0xd7: {  	_ = 	snop  }
0xd8: {  	v11 =	vmul.f32 v11, v10;
	_ =	sdelay $0x1  }
0xd9: {  	[tilespmem:s0+$0x7A10] =	vst v11;
	s0 =	sshra.s32 s2, $0x2;
	s2 =	sadd.s32 $0x240, s2  }
0xda: {  	v11 =	vld [tilespmem:s0+$0x7A10];
	_ =	sdelay $0x4  }
0xdb: {  	v10 =	vmul.f32 v11, v10;
	_ =	sdelay $0x1  }
0xdc: {  	[tilespmem:s0+$0x7A10] =	vst v10  }
0xdd: {  	v10 =	vld [tilespmem:$0x9E50];
	_ =	sdelay $0x4  }
0xde: {  	v10 =	vmax.f32 v10, $1.000000000e+00  }
0xdf: {  	(erf) = vrcp.f32 v10;
	_ =	sdelay $0x8  }
0xe0: {  	s2 =	simm.s32 $0x340;
	s0 =	simm.s32 $0x40;
	v10 =	vpop (erf)  }
.LBB2_22:
0xe1: {  	p0 =	sne.s32 s2, $0x8EC0;
	v11 =	vld [tilespmem:s0+$0x7A10];
	_ =	sdelay $0x2  }
.Ltmp10:
0xe2: {  	(pc) =	sbr.rel @p0 .LBB2_22-.Ltmp10, $3  }
0xe3: {  	_ = 	snop  }
0xe4: {  	v11 =	vmul.f32 v11, v10;
	_ =	sdelay $0x1  }
0xe5: {  	[tilespmem:s0+$0x7A10] =	vst v11;
	s0 =	sshra.s32 s2, $0x2;
	s2 =	sadd.s32 $0x240, s2  }
0xe6: {  	v11 =	vld [tilespmem:s0+$0x7A10];
	_ =	sdelay $0x4  }
0xe7: {  	v10 =	vmul.f32 v11, v10;
	_ =	sdelay $0x1  }
0xe8: {  	[tilespmem:s0+$0x7A10] =	vst v10  }
0xe9: {  	v10 =	vld [tilespmem:$0x9E60];
	_ =	sdelay $0x4  }
0xea: {  	v10 =	vmax.f32 v10, $1.000000000e+00  }
0xeb: {  	(erf) = vrcp.f32 v10;
	_ =	sdelay $0x8  }
0xec: {  	s2 =	simm.s32 $0x380;
	s0 =	simm.s32 $0x50;
	v10 =	vpop (erf)  }
.LBB2_24:
0xed: {  	p0 =	sne.s32 s2, $0x8F00;
	v11 =	vld [tilespmem:s0+$0x7A10];
	_ =	sdelay $0x2  }
.Ltmp11:
0xee: {  	(pc) =	sbr.rel @p0 .LBB2_24-.Ltmp11, $3  }
0xef: {  	_ = 	snop  }
0xf0: {  	v11 =	vmul.f32 v11, v10;
	_ =	sdelay $0x1  }
0xf1: {  	[tilespmem:s0+$0x7A10] =	vst v11;
	s0 =	sshra.s32 s2, $0x2;
	s2 =	sadd.s32 $0x240, s2  }
0xf2: {  	v11 =	vld [tilespmem:s0+$0x7A10];
	_ =	sdelay $0x4  }
0xf3: {  	v10 =	vmul.f32 v11, v10;
	_ =	sdelay $0x1  }
0xf4: {  	[tilespmem:s0+$0x7A10] =	vst v10  }
0xf5: {  	v10 =	vld [tilespmem:$0x9E70];
	_ =	sdelay $0x4  }
0xf6: {  	v10 =	vmax.f32 v10, $1.000000000e+00  }
0xf7: {  	(erf) = vrcp.f32 v10;
	_ =	sdelay $0x8  }
0xf8: {  	s2 =	simm.s32 $0x3C0;
	s0 =	simm.s32 $0x60;
	v10 =	vpop (erf)  }
.LBB2_26:
0xf9: {  	p0 =	sne.s32 s2, $0x8F40;
	v11 =	vld [tilespmem:s0+$0x7A10];
	_ =	sdelay $0x2  }
.Ltmp12:
0xfa: {  	(pc) =	sbr.rel @p0 .LBB2_26-.Ltmp12, $3  }
0xfb: {  	_ = 	snop  }
0xfc: {  	v11 =	vmul.f32 v11, v10;
	_ =	sdelay $0x1  }
0xfd: {  	[tilespmem:s0+$0x7A10] =	vst v11;
	s0 =	sshra.s32 s2, $0x2;
	s2 =	sadd.s32 $0x240, s2  }
0xfe: {  	v11 =	vld [tilespmem:s0+$0x7A10];
	_ =	sdelay $0x4  }
0xff: {  	v10 =	vmul.f32 v11, v10;
	_ =	sdelay $0x1  }
0x100: {  	[tilespmem:s0+$0x7A10] =	vst v10  }
0x101: {  	v10 =	vld [tilespmem:$0x9E80];
	_ =	sdelay $0x4  }
0x102: {  	v10 =	vmax.f32 v10, $1.000000000e+00  }
0x103: {  	(erf) = vrcp.f32 v10;
	_ =	sdelay $0x8  }
0x104: {  	s2 =	simm.s32 $0x400;
	s0 =	simm.s32 $0x70;
	v10 =	vpop (erf)  }
.LBB2_28:
0x105: {  	p0 =	sne.s32 s2, $0x8F80;
	v11 =	vld [tilespmem:s0+$0x7A10];
	_ =	sdelay $0x2  }
.Ltmp13:
0x106: {  	(pc) =	sbr.rel @p0 .LBB2_28-.Ltmp13, $3  }
0x107: {  	_ = 	snop  }
0x108: {  	v11 =	vmul.f32 v11, v10;
	_ =	sdelay $0x1  }
0x109: {  	[tilespmem:s0+$0x7A10] =	vst v11;
	s0 =	sshra.s32 s2, $0x2;
	s2 =	sadd.s32 $0x240, s2  }
0x10a: {  	v11 =	vld [tilespmem:s0+$0x7A10];
	_ =	sdelay $0x4  }
0x10b: {  	v10 =	vmul.f32 v11, v10;
	_ =	sdelay $0x1  }
0x10c: {  	[tilespmem:s0+$0x7A10] =	vst v10  }
0x10d: {  	v10 =	vld [tilespmem:$0x9E90];
	_ =	sdelay $0x4  }
0x10e: {  	v10 =	vmax.f32 v10, $1.000000000e+00  }
0x10f: {  	(erf) = vrcp.f32 v10;
	_ =	sdelay $0x8  }
0x110: {  	s2 =	simm.s32 $0x440;
	s0 =	simm.s32 $0x80;
	v10 =	vpop (erf)  }
.LBB2_30:
0x111: {  	p0 =	sne.s32 s2, $0x8FC0;
	v11 =	vld [tilespmem:s0+$0x7A10];
	_ =	sdelay $0x2  }
.Ltmp14:
0x112: {  	(pc) =	sbr.rel @p0 .LBB2_30-.Ltmp14, $3  }
0x113: {  	_ = 	snop  }
0x114: {  	v11 =	vmul.f32 v11, v10;
	_ =	sdelay $0x1  }
0x115: {  	[tilespmem:s0+$0x7A10] =	vst v11;
	s0 =	sshra.s32 s2, $0x2;
	s2 =	sadd.s32 $0x240, s2  }
0x116: {  	v11 =	vld [tilespmem:s0+$0x7A10];
	p0 =	sgt.u32 s29, $0x1E;
	s2 =	simm.s32 $0x40  }
0x117: {  	s2 =	simm.s32 @!p0 $0x0  }
0x118: {  	s2 =	sor.u32 s13, s2  }
0x119: {  	s31 =	smul.u32 $0x34500, s2  }
0x11a: {  	s16 =	sadd.s32 s5, s30  }
0x11b: {  	v10 =	vmul.f32 v11, v10;
	s2 =	sadd.s32 s31, s16  }
0x11c: {  	s2 =	sshrl.u32 s2, $0x3  }
0x11d: {  	[tilespmem:s0+$0x7A10] =	vst v10;
	s8 =	sadd.s32 s6, s2  }
0x11e: {  	[hbm4b:s8+s25] =	stream.strided.scatter [tilespmem:s24], [sflag:$0x2], $0x2400, s26, s25, $0x38;
	[tilespmem:$0x15B60] =	vst v63  }
0x11f: {  	_ =	swait.ge [sflag:s17], $0x2400  }
0x120: {  	[sflag:s17] =	ssyncset.done $0x0  }
0x121: {  	[sflag:s17] =	ssyncadd.s32 $0xFFFFDC00  }
0x122: {  	[tilespmem:s23], [sflag:$0x2] =	stream.linear.gather [spmem:s10], $0x2D00, $0x38;
	[tilespmem:$0x15B60] =	vst v63  }
0x123: {  	s15 =	simm.s32 $0x0;
	_ =	swait.ge [sflag:s17], $0x2D00  }
0x124: {  	v10 =	vmov s15;
	[sflag:s17] =	ssyncset.done $0x0  }
0x125: {  	s0 =	simm.s32 $0x4D30;
	v11 =	vand.u32 $0xFF, v10;
	[sflag:s17] =	ssyncadd.s32 $0xFFFFD300  }
0x126: {  	v12 =	vadd.s32 v1, v11;
	v10 =	vld [tilespmem:s0+$0xFFFFFFE0];
	_ =	sdelay $0x4  }
0x127: {  	[tilespmem:v12+s24+$0x0] =	vst.idx.msk $0xffff, v10  }
0x128: {  	v12 =	vadd.s32 v6, v11;
	v10 =	vld [tilespmem:s0+$0xFFFFFFF0];
	_ =	sdelay $0x4  }
0x129: {  	[tilespmem:v12+s24+$0x0] =	vst.idx.msk $0xffff, v10  }
0x12a: {  	v12 =	vadd.s32 v7, v11;
	v10 =	vld [tilespmem:s0+$0x0];
	_ =	sdelay $0x4  }
0x12b: {  	[tilespmem:v12+s24+$0x0] =	vst.idx.msk $0xffff, v10  }
0x12c: {  	v12 =	vadd.s32 v8, v11;
	v10 =	vld [tilespmem:s0+$0x10];
	_ =	sdelay $0x4  }
0x12d: {  	[tilespmem:v12+s24+$0x0] =	vst.idx.msk $0xffff, v10  }
0x12e: {  	v11 =	vadd.s32 v9, v11;
	v10 =	vld [tilespmem:s0+$0x20];
	_ =	sdelay $0x2  }
0x12f: {  	s16 =	simm.s32 $0x1  }
0x130: {  	s2 =	simm.s32 $0x2;
	v12 =	vmov s16  }
.LBB2_32:
0x131: {  	p0 =	sne.s32 s2, $0x8F;
	v12 =	vand.u32 $0xFF, v12;
	[tilespmem:v11+s24+$0x0] =	vst.idx.msk $0xffff, v10;
	s0 =	sadd.s32 $0x50, s0  }
0x132: {  	v10 =	vld [tilespmem:s0+$0xFFFFFFE0];
	v11 =	vadd.s32 v1, v12;
	_ =	sdelay $0x4  }
0x133: {  	[tilespmem:v11+s24+$0x0] =	vst.idx.msk $0xffff, v10  }
0x134: {  	v11 =	vadd.s32 v6, v12;
	v10 =	vld [tilespmem:s0+$0xFFFFFFF0];
	_ =	sdelay $0x4  }
0x135: {  	[tilespmem:v11+s24+$0x0] =	vst.idx.msk $0xffff, v10  }
0x136: {  	v11 =	vadd.s32 v7, v12;
	v10 =	vld [tilespmem:s0+$0x0];
	_ =	sdelay $0x4  }
0x137: {  	[tilespmem:v11+s24+$0x0] =	vst.idx.msk $0xffff, v10  }
0x138: {  	v11 =	vadd.s32 v8, v12;
	v10 =	vld [tilespmem:s0+$0x10];
	_ =	sdelay $0x4  }
0x139: {  	[tilespmem:v11+s24+$0x0] =	vst.idx.msk $0xffff, v10  }
.Ltmp15:
0x13a: {  	v11 =	vadd.s32 v9, v12;
	v10 =	vld [tilespmem:s0+$0x20];
	(pc) =	sbr.rel @p0 .LBB2_32-.Ltmp15, $2  }
0x13b: {  	_ =	sdelay $0x2  }
0x13c: {  	v12 =	vmov s2;
	s2 =	sadd.s32 $0x1, s2  }
0x13d: {  	_ =	sdelay $0x3  }
0x13e: {  	v12 =	vand.u32 $0xFF, v12;
	[tilespmem:v11+s24+$0x0] =	vst.idx.msk $0xffff, v10;
	s0 =	sadd.s32 $0x50, s0  }
0x13f: {  	v10 =	vld [tilespmem:s0+$0xFFFFFFE0];
	v11 =	vadd.s32 v1, v12;
	_ =	sdelay $0x4  }
0x140: {  	[tilespmem:v11+s24+$0x0] =	vst.idx.msk $0xffff, v10  }
0x141: {  	v11 =	vadd.s32 v6, v12;
	v10 =	vld [tilespmem:s0+$0xFFFFFFF0];
	_ =	sdelay $0x4  }
0x142: {  	[tilespmem:v11+s24+$0x0] =	vst.idx.msk $0xffff, v10  }
0x143: {  	v11 =	vadd.s32 v7, v12;
	v10 =	vld [tilespmem:s0+$0x0];
	_ =	sdelay $0x4  }
0x144: {  	[tilespmem:v11+s24+$0x0] =	vst.idx.msk $0xffff, v10  }
0x145: {  	v11 =	vadd.s32 v8, v12;
	v10 =	vld [tilespmem:s0+$0x10];
	_ =	sdelay $0x4  }
0x146: {  	[tilespmem:v11+s24+$0x0] =	vst.idx.msk $0xffff, v10  }
0x147: {  	v11 =	vadd.s32 v9, v12;
	v10 =	vld [tilespmem:s0+$0x20];
	_ =	sdelay $0x4  }
0x148: {  	[tilespmem:v11+s24+$0x0] =	vst.idx.msk $0xffff, v10  }
0x149: {  	v10 =	vld [tilespmem:$0x9E10];
	_ =	sdelay $0x4  }
0x14a: {  	v10 =	vmax.f32 v10, $1.000000000e+00  }
0x14b: {  	(erf) = vrcp.f32 v10;
	_ =	sdelay $0x8  }
0x14c: {  	s2 =	simm.s32 $0x240;
	s0 =	simm.s32 $0x0;
	v10 =	vpop (erf)  }
.LBB2_34:
0x14d: {  	p0 =	sne.s32 s2, $0x8DC0;
	v11 =	vld [tilespmem:s0+$0x7A10];
	_ =	sdelay $0x2  }
.Ltmp16:
0x14e: {  	(pc) =	sbr.rel @p0 .LBB2_34-.Ltmp16, $3  }
0x14f: {  	_ = 	snop  }
0x150: {  	v11 =	vmul.f32 v11, v10;
	_ =	sdelay $0x1  }
0x151: {  	[tilespmem:s0+$0x7A10] =	vst v11;
	s0 =	sshra.s32 s2, $0x2;
	s2 =	sadd.s32 $0x240, s2  }
0x152: {  	v11 =	vld [tilespmem:s0+$0x7A10];
	_ =	sdelay $0x4  }
0x153: {  	v10 =	vmul.f32 v11, v10;
	_ =	sdelay $0x1  }
0x154: {  	[tilespmem:s0+$0x7A10] =	vst v10  }
0x155: {  	v10 =	vld [tilespmem:$0x9E20];
	_ =	sdelay $0x4  }
0x156: {  	v10 =	vmax.f32 v10, $1.000000000e+00  }
0x157: {  	(erf) = vrcp.f32 v10;
	_ =	sdelay $0x8  }
0x158: {  	s2 =	simm.s32 $0x280;
	s0 =	simm.s32 $0x10;
	v10 =	vpop (erf)  }
.LBB2_36:
0x159: {  	p0 =	sne.s32 s2, $0x8E00;
	v11 =	vld [tilespmem:s0+$0x7A10];
	_ =	sdelay $0x2  }
.Ltmp17:
0x15a: {  	(pc) =	sbr.rel @p0 .LBB2_36-.Ltmp17, $3  }
0x15b: {  	_ = 	snop  }
0x15c: {  	v11 =	vmul.f32 v11, v10;
	_ =	sdelay $0x1  }
0x15d: {  	[tilespmem:s0+$0x7A10] =	vst v11;
	s0 =	sshra.s32 s2, $0x2;
	s2 =	sadd.s32 $0x240, s2  }
0x15e: {  	v11 =	vld [tilespmem:s0+$0x7A10];
	_ =	sdelay $0x4  }
0x15f: {  	v10 =	vmul.f32 v11, v10;
	_ =	sdelay $0x1  }
0x160: {  	[tilespmem:s0+$0x7A10] =	vst v10  }
0x161: {  	v10 =	vld [tilespmem:$0x9E30];
	_ =	sdelay $0x4  }
0x162: {  	v10 =	vmax.f32 v10, $1.000000000e+00  }
0x163: {  	(erf) = vrcp.f32 v10;
	_ =	sdelay $0x8  }
0x164: {  	s2 =	simm.s32 $0x2C0;
	s0 =	simm.s32 $0x20;
	v10 =	vpop (erf)  }
.LBB2_38:
0x165: {  	p0 =	sne.s32 s2, $0x8E40;
	v11 =	vld [tilespmem:s0+$0x7A10];
	_ =	sdelay $0x2  }
.Ltmp18:
0x166: {  	(pc) =	sbr.rel @p0 .LBB2_38-.Ltmp18, $3  }
0x167: {  	_ = 	snop  }
0x168: {  	v11 =	vmul.f32 v11, v10;
	_ =	sdelay $0x1  }
0x169: {  	[tilespmem:s0+$0x7A10] =	vst v11;
	s0 =	sshra.s32 s2, $0x2;
	s2 =	sadd.s32 $0x240, s2  }
0x16a: {  	v11 =	vld [tilespmem:s0+$0x7A10];
	_ =	sdelay $0x4  }
0x16b: {  	v10 =	vmul.f32 v11, v10;
	_ =	sdelay $0x1  }
0x16c: {  	[tilespmem:s0+$0x7A10] =	vst v10  }
0x16d: {  	v10 =	vld [tilespmem:$0x9E40];
	_ =	sdelay $0x4  }
0x16e: {  	v10 =	vmax.f32 v10, $1.000000000e+00  }
0x16f: {  	(erf) = vrcp.f32 v10;
	_ =	sdelay $0x8  }
0x170: {  	s2 =	simm.s32 $0x300;
	s0 =	simm.s32 $0x30;
	v10 =	vpop (erf)  }
.LBB2_40:
0x171: {  	p0 =	sne.s32 s2, $0x8E80;
	v11 =	vld [tilespmem:s0+$0x7A10];
	_ =	sdelay $0x2  }
.Ltmp19:
0x172: {  	(pc) =	sbr.rel @p0 .LBB2_40-.Ltmp19, $3  }
0x173: {  	_ = 	snop  }
0x174: {  	v11 =	vmul.f32 v11, v10;
	_ =	sdelay $0x1  }
0x175: {  	[tilespmem:s0+$0x7A10] =	vst v11;
	s0 =	sshra.s32 s2, $0x2;
	s2 =	sadd.s32 $0x240, s2  }
0x176: {  	v11 =	vld [tilespmem:s0+$0x7A10];
	_ =	sdelay $0x4  }
0x177: {  	v10 =	vmul.f32 v11, v10;
	_ =	sdelay $0x1  }
0x178: {  	[tilespmem:s0+$0x7A10] =	vst v10  }
0x179: {  	v10 =	vld [tilespmem:$0x9E50];
	_ =	sdelay $0x4  }
0x17a: {  	v10 =	vmax.f32 v10, $1.000000000e+00  }
0x17b: {  	(erf) = vrcp.f32 v10;
	_ =	sdelay $0x8  }
0x17c: {  	s2 =	simm.s32 $0x340;
	s0 =	simm.s32 $0x40;
	v10 =	vpop (erf)  }
.LBB2_42:
0x17d: {  	p0 =	sne.s32 s2, $0x8EC0;
	v11 =	vld [tilespmem:s0+$0x7A10];
	_ =	sdelay $0x2  }
.Ltmp20:
0x17e: {  	(pc) =	sbr.rel @p0 .LBB2_42-.Ltmp20, $3  }
0x17f: {  	_ = 	snop  }
0x180: {  	v11 =	vmul.f32 v11, v10;
	_ =	sdelay $0x1  }
0x181: {  	[tilespmem:s0+$0x7A10] =	vst v11;
	s0 =	sshra.s32 s2, $0x2;
	s2 =	sadd.s32 $0x240, s2  }
0x182: {  	v11 =	vld [tilespmem:s0+$0x7A10];
	_ =	sdelay $0x4  }
0x183: {  	v10 =	vmul.f32 v11, v10;
	_ =	sdelay $0x1  }
0x184: {  	[tilespmem:s0+$0x7A10] =	vst v10  }
0x185: {  	v10 =	vld [tilespmem:$0x9E60];
	_ =	sdelay $0x4  }
0x186: {  	v10 =	vmax.f32 v10, $1.000000000e+00  }
0x187: {  	(erf) = vrcp.f32 v10;
	_ =	sdelay $0x8  }
0x188: {  	s2 =	simm.s32 $0x380;
	s0 =	simm.s32 $0x50;
	v10 =	vpop (erf)  }
.LBB2_44:
0x189: {  	p0 =	sne.s32 s2, $0x8F00;
	v11 =	vld [tilespmem:s0+$0x7A10];
	_ =	sdelay $0x2  }
.Ltmp21:
0x18a: {  	(pc) =	sbr.rel @p0 .LBB2_44-.Ltmp21, $3  }
0x18b: {  	_ = 	snop  }
0x18c: {  	v11 =	vmul.f32 v11, v10;
	_ =	sdelay $0x1  }
0x18d: {  	[tilespmem:s0+$0x7A10] =	vst v11;
	s0 =	sshra.s32 s2, $0x2;
	s2 =	sadd.s32 $0x240, s2  }
0x18e: {  	v11 =	vld [tilespmem:s0+$0x7A10];
	_ =	sdelay $0x4  }
0x18f: {  	v10 =	vmul.f32 v11, v10;
	_ =	sdelay $0x1  }
0x190: {  	[tilespmem:s0+$0x7A10] =	vst v10  }
0x191: {  	v10 =	vld [tilespmem:$0x9E70];
	_ =	sdelay $0x4  }
0x192: {  	v10 =	vmax.f32 v10, $1.000000000e+00  }
0x193: {  	(erf) = vrcp.f32 v10;
	_ =	sdelay $0x8  }
0x194: {  	s2 =	simm.s32 $0x3C0;
	s0 =	simm.s32 $0x60;
	v10 =	vpop (erf)  }
.LBB2_46:
0x195: {  	p0 =	sne.s32 s2, $0x8F40;
	v11 =	vld [tilespmem:s0+$0x7A10];
	_ =	sdelay $0x2  }
.Ltmp22:
0x196: {  	(pc) =	sbr.rel @p0 .LBB2_46-.Ltmp22, $3  }
0x197: {  	_ = 	snop  }
0x198: {  	v11 =	vmul.f32 v11, v10;
	_ =	sdelay $0x1  }
0x199: {  	[tilespmem:s0+$0x7A10] =	vst v11;
	s0 =	sshra.s32 s2, $0x2;
	s2 =	sadd.s32 $0x240, s2  }
0x19a: {  	v11 =	vld [tilespmem:s0+$0x7A10];
	_ =	sdelay $0x4  }
0x19b: {  	v10 =	vmul.f32 v11, v10;
	_ =	sdelay $0x1  }
0x19c: {  	[tilespmem:s0+$0x7A10] =	vst v10  }
0x19d: {  	v10 =	vld [tilespmem:$0x9E80];
	_ =	sdelay $0x4  }
0x19e: {  	v10 =	vmax.f32 v10, $1.000000000e+00  }
0x19f: {  	(erf) = vrcp.f32 v10;
	_ =	sdelay $0x8  }
0x1a0: {  	s2 =	simm.s32 $0x400;
	s0 =	simm.s32 $0x70;
	v10 =	vpop (erf)  }
.LBB2_48:
0x1a1: {  	p0 =	sne.s32 s2, $0x8F80;
	v11 =	vld [tilespmem:s0+$0x7A10];
	_ =	sdelay $0x2  }
.Ltmp23:
0x1a2: {  	(pc) =	sbr.rel @p0 .LBB2_48-.Ltmp23, $3  }
0x1a3: {  	_ = 	snop  }
0x1a4: {  	v11 =	vmul.f32 v11, v10;
	_ =	sdelay $0x1  }
0x1a5: {  	[tilespmem:s0+$0x7A10] =	vst v11;
	s0 =	sshra.s32 s2, $0x2;
	s2 =	sadd.s32 $0x240, s2  }
0x1a6: {  	v11 =	vld [tilespmem:s0+$0x7A10];
	_ =	sdelay $0x4  }
0x1a7: {  	v10 =	vmul.f32 v11, v10;
	_ =	sdelay $0x1  }
0x1a8: {  	[tilespmem:s0+$0x7A10] =	vst v10  }
0x1a9: {  	v10 =	vld [tilespmem:$0x9E90];
	_ =	sdelay $0x4  }
0x1aa: {  	v10 =	vmax.f32 v10, $1.000000000e+00  }
0x1ab: {  	(erf) = vrcp.f32 v10;
	_ =	sdelay $0x8  }
0x1ac: {  	s2 =	simm.s32 $0x440;
	s0 =	simm.s32 $0x80;
	v10 =	vpop (erf)  }
.LBB2_50:
0x1ad: {  	p0 =	sne.s32 s2, $0x8FC0;
	v11 =	vld [tilespmem:s0+$0x7A10];
	_ =	sdelay $0x2  }
.Ltmp24:
0x1ae: {  	(pc) =	sbr.rel @p0 .LBB2_50-.Ltmp24, $3  }
0x1af: {  	_ = 	snop  }
0x1b0: {  	v11 =	vmul.f32 v11, v10;
	_ =	sdelay $0x1  }
0x1b1: {  	[tilespmem:s0+$0x7A10] =	vst v11;
	s0 =	sshra.s32 s2, $0x2;
	s2 =	sadd.s32 $0x240, s2  }
0x1b2: {  	v11 =	vld [tilespmem:s0+$0x7A10];
	_ =	sdelay $0x3  }
0x1b3: {  	s2 =	sadd.s32 s7, s30  }
0x1b4: {  	s2 =	sadd.s32 s31, s2;
	v10 =	vmul.f32 v11, v10  }
0x1b5: {  	s2 =	sshrl.u32 s2, $0x3  }
0x1b6: {  	s8 =	sadd.s32 s6, s2;
	[tilespmem:s0+$0x7A10] =	vst v10  }
0x1b7: {  	[hbm4b:s8+s25] =	stream.strided.scatter [tilespmem:s24], [sflag:$0x2], $0x2400, s26, s25, $0x38;
	[tilespmem:$0x15B60] =	vst v63  }
0x1b8: {  	_ =	swait.ge [sflag:s17], $0x2400  }
0x1b9: {  	[sflag:s17] =	ssyncset.done $0x0  }
0x1ba: {  	[sflag:s17] =	ssyncadd.s32 $0xFFFFDC00  }
0x1bb: {  	[tilespmem:s23], [sflag:$0x2] =	stream.linear.gather [spmem:s12], $0x2D00, $0x38;
	[tilespmem:$0x15B60] =	vst v63  }
0x1bc: {  	s15 =	simm.s32 $0x0;
	_ =	swait.ge [sflag:s17], $0x2D00  }
0x1bd: {  	v10 =	vmov s15;
	[sflag:s17] =	ssyncset.done $0x0  }
0x1be: {  	s0 =	simm.s32 $0x4D30;
	v11 =	vand.u32 $0xFF, v10;
	[sflag:s17] =	ssyncadd.s32 $0xFFFFD300  }
0x1bf: {  	v12 =	vadd.s32 v1, v11;
	v10 =	vld [tilespmem:s0+$0xFFFFFFE0];
	_ =	sdelay $0x4  }
0x1c0: {  	[tilespmem:v12+s24+$0x0] =	vst.idx.msk $0xffff, v10  }
0x1c1: {  	v12 =	vadd.s32 v6, v11;
	v10 =	vld [tilespmem:s0+$0xFFFFFFF0];
	_ =	sdelay $0x4  }
0x1c2: {  	[tilespmem:v12+s24+$0x0] =	vst.idx.msk $0xffff, v10  }
0x1c3: {  	v12 =	vadd.s32 v7, v11;
	v10 =	vld [tilespmem:s0+$0x0];
	_ =	sdelay $0x4  }
0x1c4: {  	[tilespmem:v12+s24+$0x0] =	vst.idx.msk $0xffff, v10  }
0x1c5: {  	v12 =	vadd.s32 v8, v11;
	v10 =	vld [tilespmem:s0+$0x10];
	_ =	sdelay $0x4  }
0x1c6: {  	[tilespmem:v12+s24+$0x0] =	vst.idx.msk $0xffff, v10  }
0x1c7: {  	v11 =	vadd.s32 v9, v11;
	v10 =	vld [tilespmem:s0+$0x20];
	_ =	sdelay $0x2  }
0x1c8: {  	s16 =	simm.s32 $0x1  }
0x1c9: {  	s2 =	simm.s32 $0x2;
	v12 =	vmov s16  }
.LBB2_52:
0x1ca: {  	p0 =	sne.s32 s2, $0x8F;
	v12 =	vand.u32 $0xFF, v12;
	[tilespmem:v11+s24+$0x0] =	vst.idx.msk $0xffff, v10;
	s0 =	sadd.s32 $0x50, s0  }
0x1cb: {  	v10 =	vld [tilespmem:s0+$0xFFFFFFE0];
	v11 =	vadd.s32 v1, v12;
	_ =	sdelay $0x4  }
0x1cc: {  	[tilespmem:v11+s24+$0x0] =	vst.idx.msk $0xffff, v10  }
0x1cd: {  	v11 =	vadd.s32 v6, v12;
	v10 =	vld [tilespmem:s0+$0xFFFFFFF0];
	_ =	sdelay $0x4  }
0x1ce: {  	[tilespmem:v11+s24+$0x0] =	vst.idx.msk $0xffff, v10  }
0x1cf: {  	v11 =	vadd.s32 v7, v12;
	v10 =	vld [tilespmem:s0+$0x0];
	_ =	sdelay $0x4  }
0x1d0: {  	[tilespmem:v11+s24+$0x0] =	vst.idx.msk $0xffff, v10  }
0x1d1: {  	v11 =	vadd.s32 v8, v12;
	v10 =	vld [tilespmem:s0+$0x10];
	_ =	sdelay $0x4  }
0x1d2: {  	[tilespmem:v11+s24+$0x0] =	vst.idx.msk $0xffff, v10  }
.Ltmp25:
0x1d3: {  	v11 =	vadd.s32 v9, v12;
	v10 =	vld [tilespmem:s0+$0x20];
	(pc) =	sbr.rel @p0 .LBB2_52-.Ltmp25, $2  }
0x1d4: {  	_ =	sdelay $0x2  }
0x1d5: {  	v12 =	vmov s2;
	s2 =	sadd.s32 $0x1, s2  }
0x1d6: {  	_ =	sdelay $0x3  }
0x1d7: {  	v12 =	vand.u32 $0xFF, v12;
	[tilespmem:v11+s24+$0x0] =	vst.idx.msk $0xffff, v10;
	s0 =	sadd.s32 $0x50, s0  }
0x1d8: {  	v10 =	vld [tilespmem:s0+$0xFFFFFFE0];
	v11 =	vadd.s32 v1, v12;
	_ =	sdelay $0x4  }
0x1d9: {  	[tilespmem:v11+s24+$0x0] =	vst.idx.msk $0xffff, v10  }
0x1da: {  	v11 =	vadd.s32 v6, v12;
	v10 =	vld [tilespmem:s0+$0xFFFFFFF0];
	_ =	sdelay $0x4  }
0x1db: {  	[tilespmem:v11+s24+$0x0] =	vst.idx.msk $0xffff, v10  }
0x1dc: {  	v11 =	vadd.s32 v7, v12;
	v10 =	vld [tilespmem:s0+$0x0];
	_ =	sdelay $0x4  }
0x1dd: {  	[tilespmem:v11+s24+$0x0] =	vst.idx.msk $0xffff, v10  }
0x1de: {  	v11 =	vadd.s32 v8, v12;
	v10 =	vld [tilespmem:s0+$0x10];
	_ =	sdelay $0x4  }
0x1df: {  	[tilespmem:v11+s24+$0x0] =	vst.idx.msk $0xffff, v10  }
0x1e0: {  	v11 =	vadd.s32 v9, v12;
	v10 =	vld [tilespmem:s0+$0x20];
	_ =	sdelay $0x4  }
0x1e1: {  	[tilespmem:v11+s24+$0x0] =	vst.idx.msk $0xffff, v10  }
0x1e2: {  	v10 =	vld [tilespmem:$0x9E10];
	_ =	sdelay $0x4  }
0x1e3: {  	v10 =	vmax.f32 v10, $1.000000000e+00  }
0x1e4: {  	(erf) = vrcp.f32 v10;
	_ =	sdelay $0x8  }
0x1e5: {  	s2 =	simm.s32 $0x240;
	s0 =	simm.s32 $0x0;
	v10 =	vpop (erf)  }
.LBB2_54:
0x1e6: {  	p0 =	sne.s32 s2, $0x8DC0;
	v11 =	vld [tilespmem:s0+$0x7A10];
	_ =	sdelay $0x2  }
.Ltmp26:
0x1e7: {  	(pc) =	sbr.rel @p0 .LBB2_54-.Ltmp26, $3  }
0x1e8: {  	_ = 	snop  }
0x1e9: {  	v11 =	vmul.f32 v11, v10;
	_ =	sdelay $0x1  }
0x1ea: {  	[tilespmem:s0+$0x7A10] =	vst v11;
	s0 =	sshra.s32 s2, $0x2;
	s2 =	sadd.s32 $0x240, s2  }
0x1eb: {  	v11 =	vld [tilespmem:s0+$0x7A10];
	_ =	sdelay $0x4  }
0x1ec: {  	v10 =	vmul.f32 v11, v10;
	_ =	sdelay $0x1  }
0x1ed: {  	[tilespmem:s0+$0x7A10] =	vst v10  }
0x1ee: {  	v10 =	vld [tilespmem:$0x9E20];
	_ =	sdelay $0x4  }
0x1ef: {  	v10 =	vmax.f32 v10, $1.000000000e+00  }
0x1f0: {  	(erf) = vrcp.f32 v10;
	_ =	sdelay $0x8  }
0x1f1: {  	s2 =	simm.s32 $0x280;
	s0 =	simm.s32 $0x10;
	v10 =	vpop (erf)  }
.LBB2_56:
0x1f2: {  	p0 =	sne.s32 s2, $0x8E00;
	v11 =	vld [tilespmem:s0+$0x7A10];
	_ =	sdelay $0x2  }
.Ltmp27:
0x1f3: {  	(pc) =	sbr.rel @p0 .LBB2_56-.Ltmp27, $3  }
0x1f4: {  	_ = 	snop  }
0x1f5: {  	v11 =	vmul.f32 v11, v10;
	_ =	sdelay $0x1  }
0x1f6: {  	[tilespmem:s0+$0x7A10] =	vst v11;
	s0 =	sshra.s32 s2, $0x2;
	s2 =	sadd.s32 $0x240, s2  }
0x1f7: {  	v11 =	vld [tilespmem:s0+$0x7A10];
	_ =	sdelay $0x4  }
0x1f8: {  	v10 =	vmul.f32 v11, v10;
	_ =	sdelay $0x1  }
0x1f9: {  	[tilespmem:s0+$0x7A10] =	vst v10  }
0x1fa: {  	v10 =	vld [tilespmem:$0x9E30];
	_ =	sdelay $0x4  }
0x1fb: {  	v10 =	vmax.f32 v10, $1.000000000e+00  }
0x1fc: {  	(erf) = vrcp.f32 v10;
	_ =	sdelay $0x8  }
0x1fd: {  	s2 =	simm.s32 $0x2C0;
	s0 =	simm.s32 $0x20;
	v10 =	vpop (erf)  }
.LBB2_58:
0x1fe: {  	p0 =	sne.s32 s2, $0x8E40;
	v11 =	vld [tilespmem:s0+$0x7A10];
	_ =	sdelay $0x2  }
.Ltmp28:
0x1ff: {  	(pc) =	sbr.rel @p0 .LBB2_58-.Ltmp28, $3  }
0x200: {  	_ = 	snop  }
0x201: {  	v11 =	vmul.f32 v11, v10;
	_ =	sdelay $0x1  }
0x202: {  	[tilespmem:s0+$0x7A10] =	vst v11;
	s0 =	sshra.s32 s2, $0x2;
	s2 =	sadd.s32 $0x240, s2  }
0x203: {  	v11 =	vld [tilespmem:s0+$0x7A10];
	_ =	sdelay $0x4  }
0x204: {  	v10 =	vmul.f32 v11, v10;
	_ =	sdelay $0x1  }
0x205: {  	[tilespmem:s0+$0x7A10] =	vst v10  }
0x206: {  	v10 =	vld [tilespmem:$0x9E40];
	_ =	sdelay $0x4  }
0x207: {  	v10 =	vmax.f32 v10, $1.000000000e+00  }
0x208: {  	(erf) = vrcp.f32 v10;
	_ =	sdelay $0x8  }
0x209: {  	s2 =	simm.s32 $0x300;
	s0 =	simm.s32 $0x30;
	v10 =	vpop (erf)  }
.LBB2_60:
0x20a: {  	p0 =	sne.s32 s2, $0x8E80;
	v11 =	vld [tilespmem:s0+$0x7A10];
	_ =	sdelay $0x2  }
.Ltmp29:
0x20b: {  	(pc) =	sbr.rel @p0 .LBB2_60-.Ltmp29, $3  }
0x20c: {  	_ = 	snop  }
0x20d: {  	v11 =	vmul.f32 v11, v10;
	_ =	sdelay $0x1  }
0x20e: {  	[tilespmem:s0+$0x7A10] =	vst v11;
	s0 =	sshra.s32 s2, $0x2;
	s2 =	sadd.s32 $0x240, s2  }
0x20f: {  	v11 =	vld [tilespmem:s0+$0x7A10];
	_ =	sdelay $0x4  }
0x210: {  	v10 =	vmul.f32 v11, v10;
	_ =	sdelay $0x1  }
0x211: {  	[tilespmem:s0+$0x7A10] =	vst v10  }
0x212: {  	v10 =	vld [tilespmem:$0x9E50];
	_ =	sdelay $0x4  }
0x213: {  	v10 =	vmax.f32 v10, $1.000000000e+00  }
0x214: {  	(erf) = vrcp.f32 v10;
	_ =	sdelay $0x8  }
0x215: {  	s2 =	simm.s32 $0x340;
	s0 =	simm.s32 $0x40;
	v10 =	vpop (erf)  }
.LBB2_62:
0x216: {  	p0 =	sne.s32 s2, $0x8EC0;
	v11 =	vld [tilespmem:s0+$0x7A10];
	_ =	sdelay $0x2  }
.Ltmp30:
0x217: {  	(pc) =	sbr.rel @p0 .LBB2_62-.Ltmp30, $3  }
0x218: {  	_ = 	snop  }
0x219: {  	v11 =	vmul.f32 v11, v10;
	_ =	sdelay $0x1  }
0x21a: {  	[tilespmem:s0+$0x7A10] =	vst v11;
	s0 =	sshra.s32 s2, $0x2;
	s2 =	sadd.s32 $0x240, s2  }
0x21b: {  	v11 =	vld [tilespmem:s0+$0x7A10];
	_ =	sdelay $0x4  }
0x21c: {  	v10 =	vmul.f32 v11, v10;
	_ =	sdelay $0x1  }
0x21d: {  	[tilespmem:s0+$0x7A10] =	vst v10  }
0x21e: {  	v10 =	vld [tilespmem:$0x9E60];
	_ =	sdelay $0x4  }
0x21f: {  	v10 =	vmax.f32 v10, $1.000000000e+00  }
0x220: {  	(erf) = vrcp.f32 v10;
	_ =	sdelay $0x8  }
0x221: {  	s2 =	simm.s32 $0x380;
	s0 =	simm.s32 $0x50;
	v10 =	vpop (erf)  }
.LBB2_64:
0x222: {  	p0 =	sne.s32 s2, $0x8F00;
	v11 =	vld [tilespmem:s0+$0x7A10];
	_ =	sdelay $0x2  }
.Ltmp31:
0x223: {  	(pc) =	sbr.rel @p0 .LBB2_64-.Ltmp31, $3  }
0x224: {  	_ = 	snop  }
0x225: {  	v11 =	vmul.f32 v11, v10;
	_ =	sdelay $0x1  }
0x226: {  	[tilespmem:s0+$0x7A10] =	vst v11;
	s0 =	sshra.s32 s2, $0x2;
	s2 =	sadd.s32 $0x240, s2  }
0x227: {  	v11 =	vld [tilespmem:s0+$0x7A10];
	_ =	sdelay $0x4  }
0x228: {  	v10 =	vmul.f32 v11, v10;
	_ =	sdelay $0x1  }
0x229: {  	[tilespmem:s0+$0x7A10] =	vst v10  }
0x22a: {  	v10 =	vld [tilespmem:$0x9E70];
	_ =	sdelay $0x4  }
0x22b: {  	v10 =	vmax.f32 v10, $1.000000000e+00  }
0x22c: {  	(erf) = vrcp.f32 v10;
	_ =	sdelay $0x8  }
0x22d: {  	s2 =	simm.s32 $0x3C0;
	s0 =	simm.s32 $0x60;
	v10 =	vpop (erf)  }
.LBB2_66:
0x22e: {  	p0 =	sne.s32 s2, $0x8F40;
	v11 =	vld [tilespmem:s0+$0x7A10];
	_ =	sdelay $0x2  }
.Ltmp32:
0x22f: {  	(pc) =	sbr.rel @p0 .LBB2_66-.Ltmp32, $3  }
0x230: {  	_ = 	snop  }
0x231: {  	v11 =	vmul.f32 v11, v10;
	_ =	sdelay $0x1  }
0x232: {  	[tilespmem:s0+$0x7A10] =	vst v11;
	s0 =	sshra.s32 s2, $0x2;
	s2 =	sadd.s32 $0x240, s2  }
0x233: {  	v11 =	vld [tilespmem:s0+$0x7A10];
	_ =	sdelay $0x4  }
0x234: {  	v10 =	vmul.f32 v11, v10;
	_ =	sdelay $0x1  }
0x235: {  	[tilespmem:s0+$0x7A10] =	vst v10  }
0x236: {  	v10 =	vld [tilespmem:$0x9E80];
	_ =	sdelay $0x4  }
0x237: {  	v10 =	vmax.f32 v10, $1.000000000e+00  }
0x238: {  	(erf) = vrcp.f32 v10;
	_ =	sdelay $0x8  }
0x239: {  	s2 =	simm.s32 $0x400;
	s0 =	simm.s32 $0x70;
	v10 =	vpop (erf)  }
.LBB2_68:
0x23a: {  	p0 =	sne.s32 s2, $0x8F80;
	v11 =	vld [tilespmem:s0+$0x7A10];
	_ =	sdelay $0x2  }
.Ltmp33:
0x23b: {  	(pc) =	sbr.rel @p0 .LBB2_68-.Ltmp33, $3  }
0x23c: {  	_ = 	snop  }
0x23d: {  	v11 =	vmul.f32 v11, v10;
	_ =	sdelay $0x1  }
0x23e: {  	[tilespmem:s0+$0x7A10] =	vst v11;
	s0 =	sshra.s32 s2, $0x2;
	s2 =	sadd.s32 $0x240, s2  }
0x23f: {  	v11 =	vld [tilespmem:s0+$0x7A10];
	_ =	sdelay $0x4  }
0x240: {  	v10 =	vmul.f32 v11, v10;
	_ =	sdelay $0x1  }
0x241: {  	[tilespmem:s0+$0x7A10] =	vst v10  }
0x242: {  	v10 =	vld [tilespmem:$0x9E90];
	_ =	sdelay $0x4  }
0x243: {  	v10 =	vmax.f32 v10, $1.000000000e+00  }
0x244: {  	(erf) = vrcp.f32 v10;
	_ =	sdelay $0x8  }
0x245: {  	s2 =	simm.s32 $0x440;
	s0 =	simm.s32 $0x80;
	v10 =	vpop (erf)  }
.LBB2_70:
0x246: {  	p0 =	sne.s32 s2, $0x8FC0;
	v11 =	vld [tilespmem:s0+$0x7A10];
	_ =	sdelay $0x2  }
.Ltmp34:
0x247: {  	(pc) =	sbr.rel @p0 .LBB2_70-.Ltmp34, $3  }
0x248: {  	_ = 	snop  }
0x249: {  	v11 =	vmul.f32 v11, v10;
	_ =	sdelay $0x1  }
0x24a: {  	[tilespmem:s0+$0x7A10] =	vst v11;
	s0 =	sshra.s32 s2, $0x2;
	s2 =	sadd.s32 $0x240, s2  }
0x24b: {  	v11 =	vld [tilespmem:s0+$0x7A10];
	_ =	sdelay $0x3  }
0x24c: {  	s2 =	sadd.s32 s11, s30  }
0x24d: {  	s29 =	sadd.s32 $0x1, s29;
	s2 =	sadd.s32 s31, s2;
	v10 =	vmul.f32 v11, v10  }
0x24e: {  	p0 =	sne.s32 s29, $0x3E;
	s2 =	sshrl.u32 s2, $0x3  }
.Ltmp35:
0x24f: {  	s31 =	sadd.s32 s6, s2;
	[tilespmem:s0+$0x7A10] =	vst v10;
	(pc) =	sbr.rel @p0 .LBB2_6-.Ltmp35, $4  }
0x250: {  	[hbm4b:s31+s25] =	stream.strided.scatter [tilespmem:s24], [sflag:$0x2], $0x2400, s26, s25, $0x38;
	[tilespmem:$0x15B60] =	vst v63  }
0x251: {  	_ =	swait.ge [sflag:s17], $0x2400  }
0x252: {  	[sflag:s17] =	ssyncset.done $0x0  }
0x253: {  	[sflag:s17] =	ssyncadd.s32 $0xFFFFDC00  }
0x254: {  	s28 =	sadd.s32 $0x1, s28  }
0x255: {  	p0 =	sne.s32 s28, s14  }
.Ltmp36:
0x256: {  	_ = 	snop;
	(pc) =	sbr.rel @p0 .LBB2_1-.Ltmp36, $1  }
0x257: {  	_ =	sdelay $0x3  }
0x258: {  	_ =	sfence.sel $0x180000  }
0x259: {  	[bflag:$0x0] =	sbarrier.arrive $0xFFFF  }
0x25a: {  	_ =	strace $0x90000047  }
0x25b: {  	s0 =	stileid.u32;
	[bflag:$0x2] =	sbarrier.arrive $0xFFFF  }
0x25c: {  	p0 =	sne.s32 s0, $0x0;
	s0 =	rddreg [dreg:$0x3]  }
0x25d: {  	s0 =	sadd.s32 @!p0 $0x100000, s0  }
0x25e: {  	[sflag:s0] =	ssyncadd.tile.s32 @!p0 $0x1;
	_ =	shalt  }
.Lfunc_end2:
_tile_overlayer_lowered:
.L_overlay_start_2:
0x25f: {  	(tag) =	ssettag $0x2  }
0x260: {  	s0 =	rddreg [dreg:$0x0];
	s2 =	stileid.u32  }
0x261: {  	s1 =	rddreg [dreg:$0x1];
	p0 =	sne.s32 s2, $0x0  }
0x262: {  	s3 =	rddreg [dreg:$0x2];
	[bflag:$0x3] =	sbarrier.arrive $0xFFFF;
	s2 =	simm.s32 @!p0 $0x1C02  }
0x263: {  	[timem:s3], [sflag:s2] =	dma.local @!p0 [hbm:s0], s1  }
0x264: {  	s0 =	simm.s32 @!p0 $0x2  }
0x265: {  	_ =	swait.ge @!p0 [sflag:s0], s1  }
0x266: {  	s1 =	ssub.s32 @!p0 $0x0, s1;
	[sflag:s0] =	ssyncset.done @!p0 $0x0  }
0x267: {  	[sflag:s0] =	ssyncadd.s32 @!p0 s1  }
0x268: {  	[bflag:$0x3] =	sbarrier.arrive $0xFFFF  }
0x269: {  	_ =	shalt  }

</sc_bundles>
